<compile_context>
chip_gen: v7x
topology: tpu7x:2x2x1
jax: 0.10.2.dev20260603
libtpu: 0.0.44.dev20260713+nightly
codegen_flags: <defaults>
</compile_context>

<pallas_src>
import dataclasses
import functools

import jax
import jax.numpy as jnp
from jax import lax
from jax.experimental import pallas as pl
from jax.experimental.pallas import tpu as pltpu
from jax.experimental.pallas import tpu_sc as plsc



def _pack16(u, l):
    ub = lax.bitcast_convert_type(u.astype(jnp.bfloat16).astype(jnp.float32),
                                  jnp.int32)
    lb = lax.bitcast_convert_type(l.astype(jnp.bfloat16).astype(jnp.float32),
                                  jnp.int32)
    return ((ub >> 16) & jnp.int32(0xFFFF)) | (lb & jnp.int32(-65536))


def _node_body(emb_ref, ws_ref, wd_ref, wl_ref, nb_ref, wa_ref,
               tsrc_ref, tdst_ref, p2_ref):
    emb = emb_ref[...]
    pl_feat = jnp.dot(emb, wl_ref[...], preferred_element_type=jnp.float32)
    pl_feat = pl_feat + nb_ref[...]
    ps = jnp.dot(emb, ws_ref[...], preferred_element_type=jnp.float32)
    pd = jnp.dot(emb, wd_ref[...], preferred_element_type=jnp.float32)
    tsrc_ref[...] = _pack16(ps, pl_feat)
    tdst_ref[...] = _pack16(pd, pl_feat)
    p2_ref[...] = jnp.dot(emb, wa_ref[...], preferred_element_type=jnp.float32)


def _node_precompute(emb, ws, wd, wl, nb, wa, bn):
    n, d = emb.shape
    grid = (n // bn,)
    full = lambda shape: pl.BlockSpec(shape, lambda i: (0, 0))
    return pl.pallas_call(
        _node_body,
        grid=grid,
        in_specs=[
            pl.BlockSpec((bn, d), lambda i: (i, 0)),
            full((d, d)), full((d, d)), full((d, d)),
            full((1, d)), full((d, 2)),
        ],
        out_specs=[
            pl.BlockSpec((bn, d), lambda i: (i, 0)),
            pl.BlockSpec((bn, d), lambda i: (i, 0)),
            pl.BlockSpec((bn, 2), lambda i: (i, 0)),
        ],
        out_shape=[
            jax.ShapeDtypeStruct((n, d), jnp.int32),
            jax.ShapeDtypeStruct((n, d), jnp.int32),
            jax.ShapeDtypeStruct((n, 2), jnp.float32),
        ],
        compiler_params=pltpu.CompilerParams(
            dimension_semantics=("arbitrary",)),
    )(emb, ws, wd, wl, nb, wa)



_C = 32


def _sc_gather(tsrc, tdst, i0, i1, pas, pad):
    e = i0.shape[0]
    n, d2 = tsrc.shape
    mesh = plsc.VectorSubcoreMesh(core_axis_name="c", subcore_axis_name="s")
    nw = 32
    chunks = e // _C

    cp = pltpu.CompilerParams()
    if "needs_layout_passes" in pltpu.CompilerParams.__dataclass_fields__:
        cp = dataclasses.replace(cp, needs_layout_passes=False)

    per = -(-(e // nw) // _C) * _C
    tail = e - (nw - 1) * per
    assert tail > 0 and tail % _C == 0 and per % 8 == 0

    buf_t = pltpu.VMEM((_C, d2), jnp.int32)
    ga_t = pltpu.VMEM((_C,), jnp.float32)

    @functools.partial(
        pl.kernel, mesh=mesh,
        compiler_params=cp,
        out_type=(jax.ShapeDtypeStruct((e, d2), jnp.int32),
                  jax.ShapeDtypeStruct((e,), jnp.float32)),
        scratch_types=[
            pltpu.VMEM((per,), jnp.int32), pltpu.VMEM((per,), jnp.int32),
            buf_t, buf_t, buf_t, buf_t,
            ga_t, ga_t,
            pltpu.VMEM((n,), jnp.float32), pltpu.VMEM((n,), jnp.float32),
            pltpu.SemaphoreType.DMA, pltpu.SemaphoreType.DMA,
            pltpu.SemaphoreType.DMA, pltpu.SemaphoreType.DMA,
        ],
    )
    def fn(tsrc_hbm, tdst_hbm, i0_hbm, i1_hbm, pas_hbm, pad_hbm,
           g_out, ga_out,
           idx0_v, idx1_v, bsa, bda, bsb, bdb, gaa, gab,
           pas_v, pad_v, sema, semb, semwa, semwb):
        cid = lax.axis_index("c")
        sid = lax.axis_index("s")
        wid = sid * 2 + cid
        base_w = wid * per
        nch = jnp.where(wid == nw - 1, tail // _C, per // _C)
        pltpu.sync_copy(pas_hbm, pas_v)
        pltpu.sync_copy(pad_hbm, pad_v)

        @pl.when(wid < nw - 1)
        def _():
            pltpu.sync_copy(i0_hbm.at[pl.ds(base_w, per)], idx0_v)
            pltpu.sync_copy(i1_hbm.at[pl.ds(base_w, per)], idx1_v)

        @pl.when(wid == nw - 1)
        def _():
            pltpu.sync_copy(i0_hbm.at[pl.ds(base_w, tail)],
                            idx0_v.at[pl.ds(0, tail)])
            pltpu.sync_copy(i1_hbm.at[pl.ds(base_w, tail)],
                            idx1_v.at[pl.ds(0, tail)])

        def drain(bufs, gabuf, semw):
            pltpu.make_async_copy(bufs, g_out.at[pl.ds(0, _C)], semw).wait()
            pltpu.make_async_copy(gabuf, ga_out.at[pl.ds(0, _C)], semw).wait()

        def issue(t, bufs, bufd, sem):
            off = t * _C
            return (
                pltpu.async_copy(tsrc_hbm.at[idx0_v.at[pl.ds(off, _C)]],
                                 bufs, sem),
                pltpu.async_copy(tdst_hbm.at[idx1_v.at[pl.ds(off, _C)]],
                                 bufd, sem),
            )

        def wait_issue(bufs, bufd, sem):
            pltpu.make_async_copy(tsrc_hbm.at[idx0_v.at[pl.ds(0, _C)]],
                                  bufs, sem).wait()
            pltpu.make_async_copy(tdst_hbm.at[idx1_v.at[pl.ds(0, _C)]],
                                  bufd, sem).wait()

        def ga_compute(t, gabuf):
            off = t * _C

            @pl.loop(0, _C, step=16)
            def _ga(k):
                v0 = idx0_v[pl.ds(off + k, 16)]
                v1 = idx1_v[pl.ds(off + k, 16)]
                gabuf[pl.ds(k, 16)] = (plsc.load_gather(pas_v, [v0]) +
                                       plsc.load_gather(pad_v, [v1]))

        def add_rows(bufs, bufd):
            @pl.loop(0, _C)
            def _row(r):
                for j in range(d2 // 16):
                    cut = pl.ds(j * 16, 16)
                    va = plsc.bitcast(bufs[r, cut], jnp.bfloat16)
                    vb = plsc.bitcast(bufd[r, cut], jnp.bfloat16)
                    bufs[r, cut] = plsc.bitcast(va + vb, jnp.int32)

        def writeback(t, bufs, gabuf, semw):
            base = base_w + t * _C
            pltpu.async_copy(bufs, g_out.at[pl.ds(base, _C)], semw)
            pltpu.async_copy(gabuf, ga_out.at[pl.ds(base, _C)], semw)

        @pl.loop(0, per // _C, step=2)
        def _pair(t0):
            t1 = t0 + 1

            @pl.when(t0 < nch)
            def _():
                @pl.when(t0 > 0)
                def _():
                    drain(bsa, gaa, semwa)
                issue(t0, bsa, bda, sema)

                @pl.when(t1 < nch)
                def _():
                    @pl.when(t0 > 0)
                    def _():
                        drain(bsb, gab, semwb)
                    issue(t1, bsb, bdb, semb)

                ga_compute(t0, gaa)
                wait_issue(bsa, bda, sema)
                add_rows(bsa, bda)
                writeback(t0, bsa, gaa, semwa)

                @pl.when(t1 < nch)
                def _():
                    ga_compute(t1, gab)
                    wait_issue(bsb, bdb, semb)
                    add_rows(bsb, bdb)
                    writeback(t1, bsb, gab, semwb)

        drain(bsa, gaa, semwa)

        @pl.when(nch >= 2)
        def _():
            drain(bsb, gab, semwb)

    return fn(tsrc, tdst, i0, i1, pas, pad)



def _make_edge1_body(has_prev):
    def body(*refs):
        if has_prev:
            (x_ref, g_ref, ga_ref, we_ref, wae_ref, ub_ref, ab_ref,
             w2_ref, lb_ref, _xsp_ref, _mrp_ref, mp_ref, zp_ref,
             xo_ref, mrow_ref, m_ref, z_ref) = refs
        else:
            (x_ref, g_ref, ga_ref, we_ref, wae_ref, ub_ref, ab_ref,
             w2_ref, lb_ref, xo_ref, mrow_ref, m_ref, z_ref) = refs
        pid = pl.program_id(0)
        d = x_ref.shape[1]
        x = x_ref[...]
        gi = g_ref[...]
        gu = lax.bitcast_convert_type(gi << 16, jnp.float32)
        gl = lax.bitcast_convert_type(gi & jnp.int32(-65536), jnp.float32)
        eu = jnp.dot(x.astype(jnp.bfloat16),
                     we_ref[...].astype(jnp.bfloat16),
                     preferred_element_type=jnp.float32)
        eu = eu + ub_ref[...]
        ea = jnp.dot(x, wae_ref[...], preferred_element_type=jnp.float32)
        pre = ea + ab_ref[...] + ga_ref[...]
        pre = jnp.where(pre >= 0, pre, 0.2 * pre)
        a = jax.nn.sigmoid(pre)
        upd = (gu + eu) * a
        ef = jnp.dot(upd.astype(jnp.bfloat16),
                     w2_ref[...].astype(jnp.bfloat16),
                     preferred_element_type=jnp.float32)
        s = ef + lb_ref[...] + gl
        s = jnp.where(s >= 0, s, 0.2 * s)

        @pl.when(pid == 0)
        def _():
            if has_prev:
                m_ref[...] = mp_ref[...]
                z_ref[...] = zp_ref[...]
            else:
                m_ref[...] = jnp.full(m_ref.shape, -jnp.inf, jnp.float32)
                z_ref[...] = jnp.zeros(z_ref.shape, jnp.float32)

        m_old = m_ref[...]
        m_new = jnp.maximum(m_old, jnp.max(s, axis=0, keepdims=True))
        expv = jnp.exp(s - m_new)
        z_new = z_ref[...] * jnp.exp(m_old - m_new) + jnp.sum(
            expv, axis=0, keepdims=True)
        m_ref[...] = m_new
        z_ref[...] = z_new
        xo_ref[...] = (upd * expv).astype(jnp.bfloat16)
        mrow_ref[...] = m_new.reshape(mrow_ref.shape)

    return body


def _edge_pass1(x, g, ga, we, wae, ub, ab, w2, lb, be, off, nb_total,
                prev=None):
    eh = g.shape[0]
    d = x.shape[1]
    e = x.shape[0]
    grid = (eh // be,)
    full = lambda shape: pl.BlockSpec(shape, lambda i: (0, 0))
    in_specs = [
        pl.BlockSpec((be, d), lambda i: (i + off, 0)),
        pl.BlockSpec((be, d), lambda i: (i, 0)),
        pl.BlockSpec((be, 1), lambda i: (i, 0)),
        full((d, d)), full((d, 1)), full((1, d)), full((1, 1)),
        full((d, d)), full((1, d)),
    ]
    operands = [x, g, ga, we, wae, ub, ab, w2, lb]
    aliases = {}
    if prev is not None:
        xsp, mrp, mp, zp = prev
        in_specs += [
            pl.BlockSpec((8, d), lambda i: (0, 0)),
            pl.BlockSpec((1, 1, d), lambda i: (0, 0, 0)),
            full((1, d)), full((1, d)),
        ]
        operands += [xsp, mrp, mp, zp]
        aliases = {9: 0, 10: 1}
    return pl.pallas_call(
        _make_edge1_body(prev is not None),
        grid=grid,
        in_specs=in_specs,
        out_specs=[
            pl.BlockSpec((be, d), lambda i: (i + off, 0)),
            pl.BlockSpec((1, 1, d), lambda i: (i + off, 0, 0)),
            pl.BlockSpec((1, d), lambda i: (0, 0)),
            pl.BlockSpec((1, d), lambda i: (0, 0)),
        ],
        out_shape=[
            jax.ShapeDtypeStruct((e, d), jnp.bfloat16),
            jax.ShapeDtypeStruct((nb_total, 1, d), jnp.float32),
            jax.ShapeDtypeStruct((1, d), jnp.float32),
            jax.ShapeDtypeStruct((1, d), jnp.float32),
        ],
        input_output_aliases=aliases,
        compiler_params=pltpu.CompilerParams(
            dimension_semantics=("arbitrary",)),
    )(*operands)



def _edge2_body(x_ref, mrow_ref, m_ref, z_ref, o_ref):
    scale = jnp.exp(mrow_ref[0] - m_ref[...]) / z_ref[...]
    o_ref[...] = x_ref[...].astype(jnp.float32) * scale


def _edge_pass2(xs, mrow, m, z, be):
    e, d = xs.shape
    grid = (e // be,)
    return pl.pallas_call(
        _edge2_body,
        grid=grid,
        in_specs=[
            pl.BlockSpec((be, d), lambda i: (i, 0)),
            pl.BlockSpec((1, 1, d), lambda i: (i, 0, 0)),
            pl.BlockSpec((1, d), lambda i: (0, 0)),
            pl.BlockSpec((1, d), lambda i: (0, 0)),
        ],
        out_specs=pl.BlockSpec((be, d), lambda i: (i, 0)),
        out_shape=jax.ShapeDtypeStruct((e, d), jnp.float32),
        compiler_params=pltpu.CompilerParams(
            dimension_semantics=("arbitrary",)),
    )(xs, mrow, m, z)



def kernel(edge_embeddings, edge_index, edge_attr, node_embeddings,
           num_nodes, attn_W, attn_b, update_W, update_b,
           edge_lin_W, edge_lin_b, node_lin_W, node_lin_b):
    del edge_attr, num_nodes
    e, d = edge_embeddings.shape
    n = node_embeddings.shape[0]

    i0 = edge_index[0].astype(jnp.int32)
    i1 = edge_index[1].astype(jnp.int32)

    ws, wd, we = update_W[:d], update_W[d:2 * d], update_W[2 * d:]
    wa2 = jnp.concatenate([attn_W[:d], attn_W[d:2 * d]], axis=1)
    wae = attn_W[2 * d:]

    bn = 2000 if n % 2000 == 0 else n
    tsrc, tdst, p2 = _node_precompute(
        node_embeddings, ws, wd, node_lin_W,
        node_lin_b.reshape(1, d), wa2, bn)

    pas, pad = p2[:, 0], p2[:, 1]
    be = 2000 if e % 2000 == 0 else e
    nb_total = e // be
    ub = update_b.reshape(1, d)
    ab = attn_b.reshape(1, 1)
    lb = edge_lin_b.reshape(1, d)

    ns = 1
    for cand in (4, 2):
        es_c = e // cand
        if e % cand == 0 and es_c % be == 0 and es_c % (_C * 32) == 0:
            ns = cand
            break
    es = e // ns
    parts = [_sc_gather(tsrc, tdst, i0[k * es:(k + 1) * es],
                        i1[k * es:(k + 1) * es], pas, pad)
             for k in range(ns)]
    prev = None
    for k in range(ns):
        gk, gak = parts[k]
        if prev is not None:
            gk, gak, mk, zk = lax.optimization_barrier(
                (gk, gak, prev[2], prev[3]))
            prev = (prev[0], prev[1], mk, zk)
        prev = _edge_pass1(
            edge_embeddings, gk, gak.reshape(es, 1), we, wae, ub, ab,
            edge_lin_W, lb, be, k * (es // be), nb_total, prev=prev)
    xs, mrow, m, z = prev

    return _edge_pass2(xs, mrow, m, z, be)

# --- scband reference (transcript-rebuilt; emitter-appended) ---
"""Pipeline reference for scband-node-edge-cls-module-75788992905487 (READ-ONLY COPY).

The authoritative reference and input builder live on the scoring server;
editing this copy changes nothing except your own understanding.
"""

import jax, jax.numpy as jnp
import numpy as np

E = 160000
N = 10000
D = 256

def leaky_relu(x):
    return jnp.where(x >= 0, x, 0.2 * x)

def setup_inputs(seed: int = 0) -> dict:
    key = jax.random.key(seed)
    ks = jax.random.split(key, 12)
    def lin(k, fan_in, fan_out):
        bound = 1.0 / np.sqrt(fan_in)
        kw, kb = jax.random.split(k)
        W = jax.random.uniform(kw, (fan_in, fan_out), jnp.float32, -bound, bound)
        b = jax.random.uniform(kb, (fan_out,), jnp.float32, -bound, bound)
        return W, b
    attn_W, attn_b = lin(ks[4], 3 * D, 1)
    update_W, update_b = lin(ks[5], 3 * D, D)
    edge_lin_W, edge_lin_b = lin(ks[6], D, D)
    node_lin_W, node_lin_b = lin(ks[7], D, D)
    return {
        "edge_embeddings": jax.random.normal(ks[0], (E, D), jnp.float32),
        "edge_index": jax.random.randint(ks[1], (2, E), 0, N, dtype=jnp.int64) if jax.config.jax_enable_x64 else jax.random.randint(ks[1], (2, E), 0, N, dtype=jnp.int32),
        "edge_attr": jax.random.normal(ks[2], (E, D), jnp.float32),
        "node_embeddings": jax.random.normal(ks[3], (N, D), jnp.float32),
        "num_nodes": N,
        "attn_W": attn_W, "attn_b": attn_b,
        "update_W": update_W, "update_b": update_b,
        "edge_lin_W": edge_lin_W, "edge_lin_b": edge_lin_b,
        "node_lin_W": node_lin_W, "node_lin_b": node_lin_b,
    }

def reference(edge_embeddings, edge_index, edge_attr, node_embeddings, num_nodes,
              attn_W, attn_b, update_W, update_b,
              edge_lin_W, edge_lin_b, node_lin_W, node_lin_b):
    # EdgeAttentionLayer forward (edge_attr is validated but unused in the torch code)
    src = jnp.take(node_embeddings, edge_index[0], axis=0)
    dst = jnp.take(node_embeddings, edge_index[1], axis=0)
    combined = jnp.concatenate([src, dst, edge_embeddings], axis=1)
    # EdgeAttentionUpdater
    a = jax.nn.sigmoid(leaky_relu(combined @ attn_W + attn_b))
    updated = (combined @ update_W + update_b) * a
    # attention over edges (dropout is identity at eval)
    edge_feat = updated @ edge_lin_W + edge_lin_b
    src_feat = src @ node_lin_W + node_lin_b
    dst_feat = dst @ node_lin_W + node_lin_b
    attn_scores = jax.nn.softmax(leaky_relu(edge_feat + src_feat + dst_feat), axis=0)
    refined = updated * attn_scores
    return refined

if __name__ == "__main__":
    import jax
    _d = setup_inputs()
    print(jax.jit(kernel)(*tuple(_d.values())))

</pallas_src>

<mosaic_0001>
#map = affine_map<(d0, d1) -> (0, 0)>
#map1 = affine_map<(d0, d1) -> (0)>
module attributes {stable_mosaic.version = 14 : i64} {
  func.func @fn(%arg0: i32, %arg1: i32, %arg2: memref<10000x256xi32, #tpu.memory_space<hbm>>, %arg3: memref<10000x256xi32, #tpu.memory_space<hbm>>, %arg4: memref<160000xi32, #tpu.memory_space<hbm>>, %arg5: memref<160000xi32, #tpu.memory_space<hbm>>, %arg6: memref<10000xf32, #tpu.memory_space<hbm>>, %arg7: memref<10000xf32, #tpu.memory_space<hbm>>, %arg8: memref<160000x256xi32, #tpu.memory_space<hbm>>, %arg9: memref<160000xf32, #tpu.memory_space<hbm>>, %arg10: memref<5024xi32, #tpu.memory_space<vmem>>, %arg11: memref<5024xi32, #tpu.memory_space<vmem>>, %arg12: memref<32x256xi32, #tpu.memory_space<vmem>>, %arg13: memref<32x256xi32, #tpu.memory_space<vmem>>, %arg14: memref<32x256xi32, #tpu.memory_space<vmem>>, %arg15: memref<32x256xi32, #tpu.memory_space<vmem>>, %arg16: memref<32xf32, #tpu.memory_space<vmem>>, %arg17: memref<32xf32, #tpu.memory_space<vmem>>, %arg18: memref<10000xf32, #tpu.memory_space<vmem>>, %arg19: memref<10000xf32, #tpu.memory_space<vmem>>, %arg20: memref<!tpu.dma_semaphore, #tpu.memory_space<semaphore_mem>>, %arg21: memref<!tpu.dma_semaphore, #tpu.memory_space<semaphore_mem>>, %arg22: memref<!tpu.dma_semaphore, #tpu.memory_space<semaphore_mem>>, %arg23: memref<!tpu.dma_semaphore, #tpu.memory_space<semaphore_mem>>) attributes {dimension_semantics = [#tpu.dimension_semantics<core_parallel>, #tpu.dimension_semantics<subcore_parallel>], iteration_bounds = array<i64: 2, 16>, scalar_prefetch = 0 : i64, scratch_operands = 14 : i64, tpu.core_type = #tpu.core_type<sc_vector_subcore>, window_params = [{transform_indices = #map}, {transform_indices = #map}, {transform_indices = #map1}, {transform_indices = #map1}, {transform_indices = #map1}, {transform_indices = #map1}, {transform_indices = #map}, {transform_indices = #map1}]} {
    %mul3A = arith.constant 2 : i32
    %mul3A_0 = arith.muli %arg1, %mul3A : i32
    %add3A = arith.addi %mul3A_0, %arg0 : i32
    %mul3A_1 = arith.constant 5024 : i32
    %mul3A_2 = arith.muli %add3A, %mul3A_1 : i32
    %eq3A = arith.constant 31 : i32
    %eq3A_3 = arith.cmpi eq, %add3A, %eq3A : i32
    %jit3A = arith.constant 133 : i32
    %jit3A_4 = arith.constant 157 : i32
    %select_n3A = arith.select %eq3A_3, %jit3A, %jit3A_4 : i32
    "tpu.region"() ({
      %run_scoped3A = tpu.sem_alloc : memref<!tpu.dma_semaphore, #tpu.memory_space<semaphore_mem>>
      tpu.enqueue_dma source(%arg6 : memref<10000xf32, #tpu.memory_space<hbm>>) target(%arg18 : memref<10000xf32, #tpu.memory_space<vmem>>) target_semaphore(%run_scoped3A : memref<!tpu.dma_semaphore, #tpu.memory_space<semaphore_mem>>)
      tpu.wait_dma2 semaphore(%run_scoped3A : memref<!tpu.dma_semaphore, #tpu.memory_space<semaphore_mem>>) src(%arg6 : memref<10000xf32, #tpu.memory_space<hbm>>) dst(%arg18 : memref<10000xf32, #tpu.memory_space<vmem>>)
      tpu.yield
    }) : () -> ()
    "tpu.region"() ({
      %run_scoped3A = tpu.sem_alloc : memref<!tpu.dma_semaphore, #tpu.memory_space<semaphore_mem>>
      tpu.enqueue_dma source(%arg7 : memref<10000xf32, #tpu.memory_space<hbm>>) target(%arg19 : memref<10000xf32, #tpu.memory_space<vmem>>) target_semaphore(%run_scoped3A : memref<!tpu.dma_semaphore, #tpu.memory_space<semaphore_mem>>)
      tpu.wait_dma2 semaphore(%run_scoped3A : memref<!tpu.dma_semaphore, #tpu.memory_space<semaphore_mem>>) src(%arg7 : memref<10000xf32, #tpu.memory_space<hbm>>) dst(%arg19 : memref<10000xf32, #tpu.memory_space<vmem>>)
      tpu.yield
    }) : () -> ()
    %lt3A = arith.constant 31 : i32
    %lt3A_5 = arith.cmpi slt, %add3A, %lt3A : i32
    %convert_element_type3A = arith.extui %lt3A_5 : i1 to i32
    %cond3A = arith.constant 0 : i32
    %cond3A_6 = arith.cmpi ne, %convert_element_type3A, %cond3A : i32
    scf.if %cond3A_6 {
      "tpu.region"() ({
        %run_scoped3A = tpu.sem_alloc : memref<!tpu.dma_semaphore, #tpu.memory_space<semaphore_mem>>
        %dma_start3A = tpu.memref_slice %arg4[%mul3A_2] : memref<160000xi32, #tpu.memory_space<hbm>> -> memref<5024xi32, #tpu.memory_space<hbm>>
        %dma_start3A_29 = tpu.memref_slice %arg4[%mul3A_2] : memref<160000xi32, #tpu.memory_space<hbm>> -> memref<5024xi32, #tpu.memory_space<hbm>>
        tpu.enqueue_dma source(%dma_start3A_29 : memref<5024xi32, #tpu.memory_space<hbm>>) target(%arg10 : memref<5024xi32, #tpu.memory_space<vmem>>) target_semaphore(%run_scoped3A : memref<!tpu.dma_semaphore, #tpu.memory_space<semaphore_mem>>)
        %dma_wait3A_30 = tpu.memref_slice %arg4[%mul3A_2] : memref<160000xi32, #tpu.memory_space<hbm>> -> memref<5024xi32, #tpu.memory_space<hbm>>
        %dma_wait3A_31 = tpu.memref_slice %arg4[%mul3A_2] : memref<160000xi32, #tpu.memory_space<hbm>> -> memref<5024xi32, #tpu.memory_space<hbm>>
        tpu.wait_dma2 semaphore(%run_scoped3A : memref<!tpu.dma_semaphore, #tpu.memory_space<semaphore_mem>>) src(%dma_wait3A_31 : memref<5024xi32, #tpu.memory_space<hbm>>) dst(%arg10 : memref<5024xi32, #tpu.memory_space<vmem>>)
        tpu.yield
      }) : () -> ()
      "tpu.region"() ({
        %run_scoped3A = tpu.sem_alloc : memref<!tpu.dma_semaphore, #tpu.memory_space<semaphore_mem>>
        %dma_start3A = tpu.memref_slice %arg5[%mul3A_2] : memref<160000xi32, #tpu.memory_space<hbm>> -> memref<5024xi32, #tpu.memory_space<hbm>>
        %dma_start3A_29 = tpu.memref_slice %arg5[%mul3A_2] : memref<160000xi32, #tpu.memory_space<hbm>> -> memref<5024xi32, #tpu.memory_space<hbm>>
        tpu.enqueue_dma source(%dma_start3A_29 : memref<5024xi32, #tpu.memory_space<hbm>>) target(%arg11 : memref<5024xi32, #tpu.memory_space<vmem>>) target_semaphore(%run_scoped3A : memref<!tpu.dma_semaphore, #tpu.memory_space<semaphore_mem>>)
        %dma_wait3A_30 = tpu.memref_slice %arg5[%mul3A_2] : memref<160000xi32, #tpu.memory_space<hbm>> -> memref<5024xi32, #tpu.memory_space<hbm>>
        %dma_wait3A_31 = tpu.memref_slice %arg5[%mul3A_2] : memref<160000xi32, #tpu.memory_space<hbm>> -> memref<5024xi32, #tpu.memory_space<hbm>>
        tpu.wait_dma2 semaphore(%run_scoped3A : memref<!tpu.dma_semaphore, #tpu.memory_space<semaphore_mem>>) src(%dma_wait3A_31 : memref<5024xi32, #tpu.memory_space<hbm>>) dst(%arg11 : memref<5024xi32, #tpu.memory_space<vmem>>)
        tpu.yield
      }) : () -> ()
    } else {
    }
    %eq3A_7 = arith.constant 31 : i32
    %eq3A_8 = arith.cmpi eq, %add3A, %eq3A_7 : i32
    %convert_element_type3A_9 = arith.extui %eq3A_8 : i1 to i32
    %cond3A_10 = arith.constant 0 : i32
    %cond3A_11 = arith.cmpi ne, %convert_element_type3A_9, %cond3A_10 : i32
    scf.if %cond3A_11 {
      "tpu.region"() ({
        %run_scoped3A = tpu.sem_alloc : memref<!tpu.dma_semaphore, #tpu.memory_space<semaphore_mem>>
        %dma_start3A = arith.constant 0 : i32
        %dma_start3A_29 = tpu.memref_slice %arg10[%dma_start3A] : memref<5024xi32, #tpu.memory_space<vmem>> -> memref<4256xi32, #tpu.memory_space<vmem>>
        %dma_start3A_30 = tpu.memref_slice %arg4[%mul3A_2] : memref<160000xi32, #tpu.memory_space<hbm>> -> memref<4256xi32, #tpu.memory_space<hbm>>
        %dma_start3A_31 = arith.constant 0 : i32
        %dma_start3A_32 = tpu.memref_slice %arg10[%dma_start3A_31] : memref<5024xi32, #tpu.memory_space<vmem>> -> memref<4256xi32, #tpu.memory_space<vmem>>
        %dma_start3A_33 = tpu.memref_slice %arg4[%mul3A_2] : memref<160000xi32, #tpu.memory_space<hbm>> -> memref<4256xi32, #tpu.memory_space<hbm>>
        tpu.enqueue_dma source(%dma_start3A_33 : memref<4256xi32, #tpu.memory_space<hbm>>) target(%dma_start3A_32 : memref<4256xi32, #tpu.memory_space<vmem>>) target_semaphore(%run_scoped3A : memref<!tpu.dma_semaphore, #tpu.memory_space<semaphore_mem>>)
        %dma_wait3A_34 = arith.constant 0 : i32
        %dma_wait3A_35 = tpu.memref_slice %arg10[%dma_wait3A_34] : memref<5024xi32, #tpu.memory_space<vmem>> -> memref<4256xi32, #tpu.memory_space<vmem>>
        %dma_wait3A_36 = tpu.memref_slice %arg4[%mul3A_2] : memref<160000xi32, #tpu.memory_space<hbm>> -> memref<4256xi32, #tpu.memory_space<hbm>>
        %dma_wait3A_37 = arith.constant 0 : i32
        %dma_wait3A_38 = tpu.memref_slice %arg10[%dma_wait3A_37] : memref<5024xi32, #tpu.memory_space<vmem>> -> memref<4256xi32, #tpu.memory_space<vmem>>
        %dma_wait3A_39 = tpu.memref_slice %arg4[%mul3A_2] : memref<160000xi32, #tpu.memory_space<hbm>> -> memref<4256xi32, #tpu.memory_space<hbm>>
        tpu.wait_dma2 semaphore(%run_scoped3A : memref<!tpu.dma_semaphore, #tpu.memory_space<semaphore_mem>>) src(%dma_wait3A_39 : memref<4256xi32, #tpu.memory_space<hbm>>) dst(%dma_wait3A_38 : memref<4256xi32, #tpu.memory_space<vmem>>)
        tpu.yield
      }) : () -> ()
      "tpu.region"() ({
        %run_scoped3A = tpu.sem_alloc : memref<!tpu.dma_semaphore, #tpu.memory_space<semaphore_mem>>
        %dma_start3A = arith.constant 0 : i32
        %dma_start3A_29 = tpu.memref_slice %arg11[%dma_start3A] : memref<5024xi32, #tpu.memory_space<vmem>> -> memref<4256xi32, #tpu.memory_space<vmem>>
        %dma_start3A_30 = tpu.memref_slice %arg5[%mul3A_2] : memref<160000xi32, #tpu.memory_space<hbm>> -> memref<4256xi32, #tpu.memory_space<hbm>>
        %dma_start3A_31 = arith.constant 0 : i32
        %dma_start3A_32 = tpu.memref_slice %arg11[%dma_start3A_31] : memref<5024xi32, #tpu.memory_space<vmem>> -> memref<4256xi32, #tpu.memory_space<vmem>>
        %dma_start3A_33 = tpu.memref_slice %arg5[%mul3A_2] : memref<160000xi32, #tpu.memory_space<hbm>> -> memref<4256xi32, #tpu.memory_space<hbm>>
        tpu.enqueue_dma source(%dma_start3A_33 : memref<4256xi32, #tpu.memory_space<hbm>>) target(%dma_start3A_32 : memref<4256xi32, #tpu.memory_space<vmem>>) target_semaphore(%run_scoped3A : memref<!tpu.dma_semaphore, #tpu.memory_space<semaphore_mem>>)
        %dma_wait3A_34 = arith.constant 0 : i32
        %dma_wait3A_35 = tpu.memref_slice %arg11[%dma_wait3A_34] : memref<5024xi32, #tpu.memory_space<vmem>> -> memref<4256xi32, #tpu.memory_space<vmem>>
        %dma_wait3A_36 = tpu.memref_slice %arg5[%mul3A_2] : memref<160000xi32, #tpu.memory_space<hbm>> -> memref<4256xi32, #tpu.memory_space<hbm>>
        %dma_wait3A_37 = arith.constant 0 : i32
        %dma_wait3A_38 = tpu.memref_slice %arg11[%dma_wait3A_37] : memref<5024xi32, #tpu.memory_space<vmem>> -> memref<4256xi32, #tpu.memory_space<vmem>>
        %dma_wait3A_39 = tpu.memref_slice %arg5[%mul3A_2] : memref<160000xi32, #tpu.memory_space<hbm>> -> memref<4256xi32, #tpu.memory_space<hbm>>
        tpu.wait_dma2 semaphore(%run_scoped3A : memref<!tpu.dma_semaphore, #tpu.memory_space<semaphore_mem>>) src(%dma_wait3A_39 : memref<4256xi32, #tpu.memory_space<hbm>>) dst(%dma_wait3A_38 : memref<4256xi32, #tpu.memory_space<vmem>>)
        tpu.yield
      }) : () -> ()
    } else {
    }
    %scan3A = arith.constant 0 : i32
    %scan3A_12 = arith.constant 79 : i32
    %scan3A_13 = arith.addi %scan3A, %scan3A_12 : i32
    %scan3A_14 = arith.constant 1 : i32
    scf.for %scan3A_29 = %scan3A to %scan3A_13 step %scan3A_14  : i32 {
      %mul3A_30 = arith.constant 2 : i32
      %mul3A_31 = arith.muli %scan3A_29, %mul3A_30 : i32
      %add3A_32 = arith.constant 0 : i32
      %add3A_33 = arith.addi %add3A_32, %mul3A_31 : i32
      %add3A_34 = arith.constant 1 : i32
      %add3A_35 = arith.addi %add3A_33, %add3A_34 : i32
      %lt3A_36 = arith.cmpi slt, %add3A_33, %select_n3A : i32
      %convert_element_type3A_37 = arith.extui %lt3A_36 : i1 to i32
      %cond3A_38 = arith.constant 0 : i32
      %cond3A_39 = arith.cmpi ne, %convert_element_type3A_37, %cond3A_38 : i32
      scf.if %cond3A_39 {
        %gt3A = arith.constant 0 : i32
        %gt3A_40 = arith.cmpi sgt, %add3A_33, %gt3A : i32
        %convert_element_type3A_41 = arith.extui %gt3A_40 : i1 to i32
        %cond3A_42 = arith.constant 0 : i32
        %cond3A_43 = arith.cmpi ne, %convert_element_type3A_41, %cond3A_42 : i32
        scf.if %cond3A_43 {
          %dma_wait3A_92 = arith.constant 0 : i32
          %dma_wait3A_93 = arith.constant 0 : i32
          %dma_wait3A_94 = tpu.memref_slice %arg8[%dma_wait3A_92, %dma_wait3A_93] : memref<160000x256xi32, #tpu.memory_space<hbm>> -> memref<32x256xi32, #tpu.memory_space<hbm>>
          %dma_wait3A_95 = arith.constant 0 : i32
          %dma_wait3A_96 = arith.constant 0 : i32
          %dma_wait3A_97 = tpu.memref_slice %arg8[%dma_wait3A_95, %dma_wait3A_96] : memref<160000x256xi32, #tpu.memory_space<hbm>> -> memref<32x256xi32, #tpu.memory_space<hbm>>
          tpu.wait_dma2 semaphore(%arg22 : memref<!tpu.dma_semaphore, #tpu.memory_space<semaphore_mem>>) src(%arg12 : memref<32x256xi32, #tpu.memory_space<vmem>>) dst(%dma_wait3A_97 : memref<32x256xi32, #tpu.memory_space<hbm>>)
          %dma_wait3A_98 = arith.constant 0 : i32
          %dma_wait3A_99 = tpu.memref_slice %arg9[%dma_wait3A_98] : memref<160000xf32, #tpu.memory_space<hbm>> -> memref<32xf32, #tpu.memory_space<hbm>>
          %dma_wait3A_100 = arith.constant 0 : i32
          %dma_wait3A_101 = tpu.memref_slice %arg9[%dma_wait3A_100] : memref<160000xf32, #tpu.memory_space<hbm>> -> memref<32xf32, #tpu.memory_space<hbm>>
          tpu.wait_dma2 semaphore(%arg22 : memref<!tpu.dma_semaphore, #tpu.memory_space<semaphore_mem>>) src(%arg16 : memref<32xf32, #tpu.memory_space<vmem>>) dst(%dma_wait3A_101 : memref<32xf32, #tpu.memory_space<hbm>>)
        } else {
        }
        %mul3A_44 = arith.constant 32 : i32
        %mul3A_45 = arith.muli %add3A_33, %mul3A_44 : i32
        %dma_start3A = tpu.memref_slice %arg10[%mul3A_45] : memref<5024xi32, #tpu.memory_space<vmem>> -> memref<32xi32, #tpu.memory_space<vmem>>
        %dma_start3A_46 = arith.constant 0 : i32
        %dma_start3A_47 = arith.constant 0 : i32
        %dma_start3A_48 = tpu.memref_slice %arg2[%dma_start3A_46, %dma_start3A_47] : memref<10000x256xi32, #tpu.memory_space<hbm>> -> memref<10000x256xi32, #tpu.memory_space<hbm>>
        tpu.enqueue_indirect_dma source(%dma_start3A_48 : memref<10000x256xi32, #tpu.memory_space<hbm>>) target(%arg12 : memref<32x256xi32, #tpu.memory_space<vmem>>) offsets(%dma_start3A : memref<32xi32, #tpu.memory_space<vmem>>) semaphore(%arg20 : memref<!tpu.dma_semaphore, #tpu.memory_space<semaphore_mem>>)
        %dma_start3A_49 = tpu.memref_slice %arg11[%mul3A_45] : memref<5024xi32, #tpu.memory_space<vmem>> -> memref<32xi32, #tpu.memory_space<vmem>>
        %dma_start3A_50 = arith.constant 0 : i32
        %dma_start3A_51 = arith.constant 0 : i32
        %dma_start3A_52 = tpu.memref_slice %arg3[%dma_start3A_50, %dma_start3A_51] : memref<10000x256xi32, #tpu.memory_space<hbm>> -> memref<10000x256xi32, #tpu.memory_space<hbm>>
        tpu.enqueue_indirect_dma source(%dma_start3A_52 : memref<10000x256xi32, #tpu.memory_space<hbm>>) target(%arg13 : memref<32x256xi32, #tpu.memory_space<vmem>>) offsets(%dma_start3A_49 : memref<32xi32, #tpu.memory_space<vmem>>) semaphore(%arg20 : memref<!tpu.dma_semaphore, #tpu.memory_space<semaphore_mem>>)
        %lt3A_53 = arith.cmpi slt, %add3A_35, %select_n3A : i32
        %convert_element_type3A_54 = arith.extui %lt3A_53 : i1 to i32
        %cond3A_55 = arith.constant 0 : i32
        %cond3A_56 = arith.cmpi ne, %convert_element_type3A_54, %cond3A_55 : i32
        scf.if %cond3A_56 {
          %gt3A_92 = arith.constant 0 : i32
          %gt3A_93 = arith.cmpi sgt, %add3A_33, %gt3A_92 : i32
          %convert_element_type3A_94 = arith.extui %gt3A_93 : i1 to i32
          %cond3A_95 = arith.constant 0 : i32
          %cond3A_96 = arith.cmpi ne, %convert_element_type3A_94, %cond3A_95 : i32
          scf.if %cond3A_96 {
            %dma_wait3A_107 = arith.constant 0 : i32
            %dma_wait3A_108 = arith.constant 0 : i32
            %dma_wait3A_109 = tpu.memref_slice %arg8[%dma_wait3A_107, %dma_wait3A_108] : memref<160000x256xi32, #tpu.memory_space<hbm>> -> memref<32x256xi32, #tpu.memory_space<hbm>>
            %dma_wait3A_110 = arith.constant 0 : i32
            %dma_wait3A_111 = arith.constant 0 : i32
            %dma_wait3A_112 = tpu.memref_slice %arg8[%dma_wait3A_110, %dma_wait3A_111] : memref<160000x256xi32, #tpu.memory_space<hbm>> -> memref<32x256xi32, #tpu.memory_space<hbm>>
            tpu.wait_dma2 semaphore(%arg23 : memref<!tpu.dma_semaphore, #tpu.memory_space<semaphore_mem>>) src(%arg14 : memref<32x256xi32, #tpu.memory_space<vmem>>) dst(%dma_wait3A_112 : memref<32x256xi32, #tpu.memory_space<hbm>>)
            %dma_wait3A_113 = arith.constant 0 : i32
            %dma_wait3A_114 = tpu.memref_slice %arg9[%dma_wait3A_113] : memref<160000xf32, #tpu.memory_space<hbm>> -> memref<32xf32, #tpu.memory_space<hbm>>
            %dma_wait3A_115 = arith.constant 0 : i32
            %dma_wait3A_116 = tpu.memref_slice %arg9[%dma_wait3A_115] : memref<160000xf32, #tpu.memory_space<hbm>> -> memref<32xf32, #tpu.memory_space<hbm>>
            tpu.wait_dma2 semaphore(%arg23 : memref<!tpu.dma_semaphore, #tpu.memory_space<semaphore_mem>>) src(%arg17 : memref<32xf32, #tpu.memory_space<vmem>>) dst(%dma_wait3A_116 : memref<32xf32, #tpu.memory_space<hbm>>)
          } else {
          }
          %mul3A_97 = arith.constant 32 : i32
          %mul3A_98 = arith.muli %add3A_35, %mul3A_97 : i32
          %dma_start3A_99 = tpu.memref_slice %arg10[%mul3A_98] : memref<5024xi32, #tpu.memory_space<vmem>> -> memref<32xi32, #tpu.memory_space<vmem>>
          %dma_start3A_100 = arith.constant 0 : i32
          %dma_start3A_101 = arith.constant 0 : i32
          %dma_start3A_102 = tpu.memref_slice %arg2[%dma_start3A_100, %dma_start3A_101] : memref<10000x256xi32, #tpu.memory_space<hbm>> -> memref<10000x256xi32, #tpu.memory_space<hbm>>
          tpu.enqueue_indirect_dma source(%dma_start3A_102 : memref<10000x256xi32, #tpu.memory_space<hbm>>) target(%arg14 : memref<32x256xi32, #tpu.memory_space<vmem>>) offsets(%dma_start3A_99 : memref<32xi32, #tpu.memory_space<vmem>>) semaphore(%arg21 : memref<!tpu.dma_semaphore, #tpu.memory_space<semaphore_mem>>)
          %dma_start3A_103 = tpu.memref_slice %arg11[%mul3A_98] : memref<5024xi32, #tpu.memory_space<vmem>> -> memref<32xi32, #tpu.memory_space<vmem>>
          %dma_start3A_104 = arith.constant 0 : i32
          %dma_start3A_105 = arith.constant 0 : i32
          %dma_start3A_106 = tpu.memref_slice %arg3[%dma_start3A_104, %dma_start3A_105] : memref<10000x256xi32, #tpu.memory_space<hbm>> -> memref<10000x256xi32, #tpu.memory_space<hbm>>
          tpu.enqueue_indirect_dma source(%dma_start3A_106 : memref<10000x256xi32, #tpu.memory_space<hbm>>) target(%arg15 : memref<32x256xi32, #tpu.memory_space<vmem>>) offsets(%dma_start3A_103 : memref<32xi32, #tpu.memory_space<vmem>>) semaphore(%arg21 : memref<!tpu.dma_semaphore, #tpu.memory_space<semaphore_mem>>)
        } else {
        }
        %mul3A_57 = arith.constant 32 : i32
        %mul3A_58 = arith.muli %add3A_33, %mul3A_57 : i32
        %scan3A_59 = arith.constant 0 : i32
        %scan3A_60 = arith.constant 2 : i32
        %scan3A_61 = arith.addi %scan3A_59, %scan3A_60 : i32
        %scan3A_62 = arith.constant 1 : i32
        scf.for %scan3A_92 = %scan3A_59 to %scan3A_61 step %scan3A_62  : i32 {
          %mul3A_93 = arith.constant 16 : i32
          %mul3A_94 = arith.muli %scan3A_92, %mul3A_93 : i32
          %add3A_95 = arith.constant 0 : i32
          %add3A_96 = arith.addi %add3A_95, %mul3A_94 : i32
          %add3A_97 = arith.addi %mul3A_58, %add3A_96 : i32
          %get3A = arith.index_cast %add3A_97 : i32 to index
          %get3A_98 = tpu.vector_load %arg10[%get3A] {strides = array<i32>} : memref<5024xi32, #tpu.memory_space<vmem>>, vector<16xi32>,
          %add3A_99 = arith.addi %mul3A_58, %add3A_96 : i32
          %get3A_100 = arith.index_cast %add3A_99 : i32 to index
          %get3A_101 = tpu.vector_load %arg11[%get3A_100] {strides = array<i32>} : memref<5024xi32, #tpu.memory_space<vmem>>, vector<16xi32>,
          %gather3A = tpu.vector_load_idx %arg18[%get3A_98] : memref<10000xf32, #tpu.memory_space<vmem>>[vector<16xi32>], vector<16xf32>,
          %gather3A_102 = tpu.vector_load_idx %arg19[%get3A_101] : memref<10000xf32, #tpu.memory_space<vmem>>[vector<16xi32>], vector<16xf32>,
          %add3A_103 = arith.addf %gather3A, %gather3A_102 : vector<16xf32>
          %swap3A = arith.index_cast %add3A_96 : i32 to index
          %swap3A_104 = tpu.vector_load %arg16[%swap3A] {strides = array<i32>} : memref<32xf32, #tpu.memory_space<vmem>>, vector<16xf32>,
          tpu.vector_store %arg16[%swap3A], %add3A_103 {strides = array<i32>} : memref<32xf32, #tpu.memory_space<vmem>>, vector<16xf32>,
        }
        %scan3A_63 = arith.constant 2 : i32
        %dma_wait3A_64 = arith.constant 0 : i32
        %dma_wait3A_65 = tpu.memref_slice %arg10[%dma_wait3A_64] : memref<5024xi32, #tpu.memory_space<vmem>> -> memref<32xi32, #tpu.memory_space<vmem>>
        %dma_wait3A_66 = arith.constant 0 : i32
        %dma_wait3A_67 = arith.constant 0 : i32
        %dma_wait3A_68 = tpu.memref_slice %arg2[%dma_wait3A_66, %dma_wait3A_67] : memref<10000x256xi32, #tpu.memory_space<hbm>> -> memref<10000x256xi32, #tpu.memory_space<hbm>>
        tpu.wait_indirect_dma semaphore(%arg20 : memref<!tpu.dma_semaphore, #tpu.memory_space<semaphore_mem>>) src(%dma_wait3A_68 : memref<10000x256xi32, #tpu.memory_space<hbm>>) dst(%arg12 : memref<32x256xi32, #tpu.memory_space<vmem>>)
        %dma_wait3A_69 = arith.constant 0 : i32
        %dma_wait3A_70 = tpu.memref_slice %arg11[%dma_wait3A_69] : memref<5024xi32, #tpu.memory_space<vmem>> -> memref<32xi32, #tpu.memory_space<vmem>>
        %dma_wait3A_71 = arith.constant 0 : i32
        %dma_wait3A_72 = arith.constant 0 : i32
        %dma_wait3A_73 = tpu.memref_slice %arg3[%dma_wait3A_71, %dma_wait3A_72] : memref<10000x256xi32, #tpu.memory_space<hbm>> -> memref<10000x256xi32, #tpu.memory_space<hbm>>
        tpu.wait_indirect_dma semaphore(%arg20 : memref<!tpu.dma_semaphore, #tpu.memory_space<semaphore_mem>>) src(%dma_wait3A_73 : memref<10000x256xi32, #tpu.memory_space<hbm>>) dst(%arg13 : memref<32x256xi32, #tpu.memory_space<vmem>>)
        %scan3A_74 = arith.constant 0 : i32
        %scan3A_75 = arith.constant 32 : i32
        %scan3A_76 = arith.addi %scan3A_74, %scan3A_75 : i32
        %scan3A_77 = arith.constant 1 : i32
        scf.for %scan3A_92 = %scan3A_74 to %scan3A_76 step %scan3A_77  : i32 {
          %mul3A_93 = arith.constant 1 : i32
          %mul3A_94 = arith.muli %scan3A_92, %mul3A_93 : i32
          %add3A_95 = arith.constant 0 : i32
          %add3A_96 = arith.addi %add3A_95, %mul3A_94 : i32
          %get3A = arith.index_cast %add3A_96 : i32 to index
          %get3A_97 = arith.constant 0 : index
          %get3A_98 = tpu.vector_load %arg12[%get3A, %get3A_97] {strides = array<i32>} : memref<32x256xi32, #tpu.memory_space<vmem>>, vector<16xi32>,
          %bitcast3A = vector.bitcast %get3A_98 : vector<16xi32> to vector<32xbf16>
          %get3A_99 = arith.index_cast %add3A_96 : i32 to index
          %get3A_100 = arith.constant 0 : index
          %get3A_101 = tpu.vector_load %arg13[%get3A_99, %get3A_100] {strides = array<i32>} : memref<32x256xi32, #tpu.memory_space<vmem>>, vector<16xi32>,
          %bitcast3A_102 = vector.bitcast %get3A_101 : vector<16xi32> to vector<32xbf16>
          %add3A_103 = arith.addf %bitcast3A, %bitcast3A_102 : vector<32xbf16>
          %bitcast3A_104 = vector.bitcast %add3A_103 : vector<32xbf16> to vector<16xi32>
          %swap3A = arith.index_cast %add3A_96 : i32 to index
          %swap3A_105 = arith.constant 0 : index
          %swap3A_106 = tpu.vector_load %arg12[%swap3A, %swap3A_105] {strides = array<i32>} : memref<32x256xi32, #tpu.memory_space<vmem>>, vector<16xi32>,
          tpu.vector_store %arg12[%swap3A, %swap3A_105], %bitcast3A_104 {strides = array<i32>} : memref<32x256xi32, #tpu.memory_space<vmem>>, vector<16xi32>,
          %get3A_107 = arith.index_cast %add3A_96 : i32 to index
          %get3A_108 = arith.constant 16 : index
          %get3A_109 = tpu.vector_load %arg12[%get3A_107, %get3A_108] {strides = array<i32>} : memref<32x256xi32, #tpu.memory_space<vmem>>, vector<16xi32>,
          %bitcast3A_110 = vector.bitcast %get3A_109 : vector<16xi32> to vector<32xbf16>
          %get3A_111 = arith.index_cast %add3A_96 : i32 to index
          %get3A_112 = arith.constant 16 : index
          %get3A_113 = tpu.vector_load %arg13[%get3A_111, %get3A_112] {strides = array<i32>} : memref<32x256xi32, #tpu.memory_space<vmem>>, vector<16xi32>,
          %bitcast3A_114 = vector.bitcast %get3A_113 : vector<16xi32> to vector<32xbf16>
          %add3A_115 = arith.addf %bitcast3A_110, %bitcast3A_114 : vector<32xbf16>
          %bitcast3A_116 = vector.bitcast %add3A_115 : vector<32xbf16> to vector<16xi32>
          %swap3A_117 = arith.index_cast %add3A_96 : i32 to index
          %swap3A_118 = arith.constant 16 : index
          %swap3A_119 = tpu.vector_load %arg12[%swap3A_117, %swap3A_118] {strides = array<i32>} : memref<32x256xi32, #tpu.memory_space<vmem>>, vector<16xi32>,
          tpu.vector_store %arg12[%swap3A_117, %swap3A_118], %bitcast3A_116 {strides = array<i32>} : memref<32x256xi32, #tpu.memory_space<vmem>>, vector<16xi32>,
          %get3A_120 = arith.index_cast %add3A_96 : i32 to index
          %get3A_121 = arith.constant 32 : index
          %get3A_122 = tpu.vector_load %arg12[%get3A_120, %get3A_121] {strides = array<i32>} : memref<32x256xi32, #tpu.memory_space<vmem>>, vector<16xi32>,
          %bitcast3A_123 = vector.bitcast %get3A_122 : vector<16xi32> to vector<32xbf16>
          %get3A_124 = arith.index_cast %add3A_96 : i32 to index
          %get3A_125 = arith.constant 32 : index
          %get3A_126 = tpu.vector_load %arg13[%get3A_124, %get3A_125] {strides = array<i32>} : memref<32x256xi32, #tpu.memory_space<vmem>>, vector<16xi32>,
          %bitcast3A_127 = vector.bitcast %get3A_126 : vector<16xi32> to vector<32xbf16>
          %add3A_128 = arith.addf %bitcast3A_123, %bitcast3A_127 : vector<32xbf16>
          %bitcast3A_129 = vector.bitcast %add3A_128 : vector<32xbf16> to vector<16xi32>
          %swap3A_130 = arith.index_cast %add3A_96 : i32 to index
          %swap3A_131 = arith.constant 32 : index
          %swap3A_132 = tpu.vector_load %arg12[%swap3A_130, %swap3A_131] {strides = array<i32>} : memref<32x256xi32, #tpu.memory_space<vmem>>, vector<16xi32>,
          tpu.vector_store %arg12[%swap3A_130, %swap3A_131], %bitcast3A_129 {strides = array<i32>} : memref<32x256xi32, #tpu.memory_space<vmem>>, vector<16xi32>,
          %get3A_133 = arith.index_cast %add3A_96 : i32 to index
          %get3A_134 = arith.constant 48 : index
          %get3A_135 = tpu.vector_load %arg12[%get3A_133, %get3A_134] {strides = array<i32>} : memref<32x256xi32, #tpu.memory_space<vmem>>, vector<16xi32>,
          %bitcast3A_136 = vector.bitcast %get3A_135 : vector<16xi32> to vector<32xbf16>
          %get3A_137 = arith.index_cast %add3A_96 : i32 to index
          %get3A_138 = arith.constant 48 : index
          %get3A_139 = tpu.vector_load %arg13[%get3A_137, %get3A_138] {strides = array<i32>} : memref<32x256xi32, #tpu.memory_space<vmem>>, vector<16xi32>,
          %bitcast3A_140 = vector.bitcast %get3A_139 : vector<16xi32> to vector<32xbf16>
          %add3A_141 = arith.addf %bitcast3A_136, %bitcast3A_140 : vector<32xbf16>
          %bitcast3A_142 = vector.bitcast %add3A_141 : vector<32xbf16> to vector<16xi32>
          %swap3A_143 = arith.index_cast %add3A_96 : i32 to index
          %swap3A_144 = arith.constant 48 : index
          %swap3A_145 = tpu.vector_load %arg12[%swap3A_143, %swap3A_144] {strides = array<i32>} : memref<32x256xi32, #tpu.memory_space<vmem>>, vector<16xi32>,
          tpu.vector_store %arg12[%swap3A_143, %swap3A_144], %bitcast3A_142 {strides = array<i32>} : memref<32x256xi32, #tpu.memory_space<vmem>>, vector<16xi32>,
          %get3A_146 = arith.index_cast %add3A_96 : i32 to index
          %get3A_147 = arith.constant 64 : index
          %get3A_148 = tpu.vector_load %arg12[%get3A_146, %get3A_147] {strides = array<i32>} : memref<32x256xi32, #tpu.memory_space<vmem>>, vector<16xi32>,
          %bitcast3A_149 = vector.bitcast %get3A_148 : vector<16xi32> to vector<32xbf16>
          %get3A_150 = arith.index_cast %add3A_96 : i32 to index
          %get3A_151 = arith.constant 64 : index
          %get3A_152 = tpu.vector_load %arg13[%get3A_150, %get3A_151] {strides = array<i32>} : memref<32x256xi32, #tpu.memory_space<vmem>>, vector<16xi32>,
          %bitcast3A_153 = vector.bitcast %get3A_152 : vector<16xi32> to vector<32xbf16>
          %add3A_154 = arith.addf %bitcast3A_149, %bitcast3A_153 : vector<32xbf16>
          %bitcast3A_155 = vector.bitcast %add3A_154 : vector<32xbf16> to vector<16xi32>
          %swap3A_156 = arith.index_cast %add3A_96 : i32 to index
          %swap3A_157 = arith.constant 64 : index
          %swap3A_158 = tpu.vector_load %arg12[%swap3A_156, %swap3A_157] {strides = array<i32>} : memref<32x256xi32, #tpu.memory_space<vmem>>, vector<16xi32>,
          tpu.vector_store %arg12[%swap3A_156, %swap3A_157], %bitcast3A_155 {strides = array<i32>} : memref<32x256xi32, #tpu.memory_space<vmem>>, vector<16xi32>,
          %get3A_159 = arith.index_cast %add3A_96 : i32 to index
          %get3A_160 = arith.constant 80 : index
          %get3A_161 = tpu.vector_load %arg12[%get3A_159, %get3A_160] {strides = array<i32>} : memref<32x256xi32, #tpu.memory_space<vmem>>, vector<16xi32>,
          %bitcast3A_162 = vector.bitcast %get3A_161 : vector<16xi32> to vector<32xbf16>
          %get3A_163 = arith.index_cast %add3A_96 : i32 to index
          %get3A_164 = arith.constant 80 : index
          %get3A_165 = tpu.vector_load %arg13[%get3A_163, %get3A_164] {strides = array<i32>} : memref<32x256xi32, #tpu.memory_space<vmem>>, vector<16xi32>,
          %bitcast3A_166 = vector.bitcast %get3A_165 : vector<16xi32> to vector<32xbf16>
          %add3A_167 = arith.addf %bitcast3A_162, %bitcast3A_166 : vector<32xbf16>
          %bitcast3A_168 = vector.bitcast %add3A_167 : vector<32xbf16> to vector<16xi32>
          %swap3A_169 = arith.index_cast %add3A_96 : i32 to index
          %swap3A_170 = arith.constant 80 : index
          %swap3A_171 = tpu.vector_load %arg12[%swap3A_169, %swap3A_170] {strides = array<i32>} : memref<32x256xi32, #tpu.memory_space<vmem>>, vector<16xi32>,
          tpu.vector_store %arg12[%swap3A_169, %swap3A_170], %bitcast3A_168 {strides = array<i32>} : memref<32x256xi32, #tpu.memory_space<vmem>>, vector<16xi32>,
          %get3A_172 = arith.index_cast %add3A_96 : i32 to index
          %get3A_173 = arith.constant 96 : index
          %get3A_174 = tpu.vector_load %arg12[%get3A_172, %get3A_173] {strides = array<i32>} : memref<32x256xi32, #tpu.memory_space<vmem>>, vector<16xi32>,
          %bitcast3A_175 = vector.bitcast %get3A_174 : vector<16xi32> to vector<32xbf16>
          %get3A_176 = arith.index_cast %add3A_96 : i32 to index
          %get3A_177 = arith.constant 96 : index
          %get3A_178 = tpu.vector_load %arg13[%get3A_176, %get3A_177] {strides = array<i32>} : memref<32x256xi32, #tpu.memory_space<vmem>>, vector<16xi32>,
          %bitcast3A_179 = vector.bitcast %get3A_178 : vector<16xi32> to vector<32xbf16>
          %add3A_180 = arith.addf %bitcast3A_175, %bitcast3A_179 : vector<32xbf16>
          %bitcast3A_181 = vector.bitcast %add3A_180 : vector<32xbf16> to vector<16xi32>
          %swap3A_182 = arith.index_cast %add3A_96 : i32 to index
          %swap3A_183 = arith.constant 96 : index
          %swap3A_184 = tpu.vector_load %arg12[%swap3A_182, %swap3A_183] {strides = array<i32>} : memref<32x256xi32, #tpu.memory_space<vmem>>, vector<16xi32>,
          tpu.vector_store %arg12[%swap3A_182, %swap3A_183], %bitcast3A_181 {strides = array<i32>} : memref<32x256xi32, #tpu.memory_space<vmem>>, vector<16xi32>,
          %get3A_185 = arith.index_cast %add3A_96 : i32 to index
          %get3A_186 = arith.constant 112 : index
          %get3A_187 = tpu.vector_load %arg12[%get3A_185, %get3A_186] {strides = array<i32>} : memref<32x256xi32, #tpu.memory_space<vmem>>, vector<16xi32>,
          %bitcast3A_188 = vector.bitcast %get3A_187 : vector<16xi32> to vector<32xbf16>
          %get3A_189 = arith.index_cast %add3A_96 : i32 to index
          %get3A_190 = arith.constant 112 : index
          %get3A_191 = tpu.vector_load %arg13[%get3A_189, %get3A_190] {strides = array<i32>} : memref<32x256xi32, #tpu.memory_space<vmem>>, vector<16xi32>,
          %bitcast3A_192 = vector.bitcast %get3A_191 : vector<16xi32> to vector<32xbf16>
          %add3A_193 = arith.addf %bitcast3A_188, %bitcast3A_192 : vector<32xbf16>
          %bitcast3A_194 = vector.bitcast %add3A_193 : vector<32xbf16> to vector<16xi32>
          %swap3A_195 = arith.index_cast %add3A_96 : i32 to index
          %swap3A_196 = arith.constant 112 : index
          %swap3A_197 = tpu.vector_load %arg12[%swap3A_195, %swap3A_196] {strides = array<i32>} : memref<32x256xi32, #tpu.memory_space<vmem>>, vector<16xi32>,
          tpu.vector_store %arg12[%swap3A_195, %swap3A_196], %bitcast3A_194 {strides = array<i32>} : memref<32x256xi32, #tpu.memory_space<vmem>>, vector<16xi32>,
          %get3A_198 = arith.index_cast %add3A_96 : i32 to index
          %get3A_199 = arith.constant 128 : index
          %get3A_200 = tpu.vector_load %arg12[%get3A_198, %get3A_199] {strides = array<i32>} : memref<32x256xi32, #tpu.memory_space<vmem>>, vector<16xi32>,
          %bitcast3A_201 = vector.bitcast %get3A_200 : vector<16xi32> to vector<32xbf16>
          %get3A_202 = arith.index_cast %add3A_96 : i32 to index
          %get3A_203 = arith.constant 128 : index
          %get3A_204 = tpu.vector_load %arg13[%get3A_202, %get3A_203] {strides = array<i32>} : memref<32x256xi32, #tpu.memory_space<vmem>>, vector<16xi32>,
          %bitcast3A_205 = vector.bitcast %get3A_204 : vector<16xi32> to vector<32xbf16>
          %add3A_206 = arith.addf %bitcast3A_201, %bitcast3A_205 : vector<32xbf16>
          %bitcast3A_207 = vector.bitcast %add3A_206 : vector<32xbf16> to vector<16xi32>
          %swap3A_208 = arith.index_cast %add3A_96 : i32 to index
          %swap3A_209 = arith.constant 128 : index
          %swap3A_210 = tpu.vector_load %arg12[%swap3A_208, %swap3A_209] {strides = array<i32>} : memref<32x256xi32, #tpu.memory_space<vmem>>, vector<16xi32>,
          tpu.vector_store %arg12[%swap3A_208, %swap3A_209], %bitcast3A_207 {strides = array<i32>} : memref<32x256xi32, #tpu.memory_space<vmem>>, vector<16xi32>,
          %get3A_211 = arith.index_cast %add3A_96 : i32 to index
          %get3A_212 = arith.constant 144 : index
          %get3A_213 = tpu.vector_load %arg12[%get3A_211, %get3A_212] {strides = array<i32>} : memref<32x256xi32, #tpu.memory_space<vmem>>, vector<16xi32>,
          %bitcast3A_214 = vector.bitcast %get3A_213 : vector<16xi32> to vector<32xbf16>
          %get3A_215 = arith.index_cast %add3A_96 : i32 to index
          %get3A_216 = arith.constant 144 : index
          %get3A_217 = tpu.vector_load %arg13[%get3A_215, %get3A_216] {strides = array<i32>} : memref<32x256xi32, #tpu.memory_space<vmem>>, vector<16xi32>,
          %bitcast3A_218 = vector.bitcast %get3A_217 : vector<16xi32> to vector<32xbf16>
          %add3A_219 = arith.addf %bitcast3A_214, %bitcast3A_218 : vector<32xbf16>
          %bitcast3A_220 = vector.bitcast %add3A_219 : vector<32xbf16> to vector<16xi32>
          %swap3A_221 = arith.index_cast %add3A_96 : i32 to index
          %swap3A_222 = arith.constant 144 : index
          %swap3A_223 = tpu.vector_load %arg12[%swap3A_221, %swap3A_222] {strides = array<i32>} : memref<32x256xi32, #tpu.memory_space<vmem>>, vector<16xi32>,
          tpu.vector_store %arg12[%swap3A_221, %swap3A_222], %bitcast3A_220 {strides = array<i32>} : memref<32x256xi32, #tpu.memory_space<vmem>>, vector<16xi32>,
          %get3A_224 = arith.index_cast %add3A_96 : i32 to index
          %get3A_225 = arith.constant 160 : index
          %get3A_226 = tpu.vector_load %arg12[%get3A_224, %get3A_225] {strides = array<i32>} : memref<32x256xi32, #tpu.memory_space<vmem>>, vector<16xi32>,
          %bitcast3A_227 = vector.bitcast %get3A_226 : vector<16xi32> to vector<32xbf16>
          %get3A_228 = arith.index_cast %add3A_96 : i32 to index
          %get3A_229 = arith.constant 160 : index
          %get3A_230 = tpu.vector_load %arg13[%get3A_228, %get3A_229] {strides = array<i32>} : memref<32x256xi32, #tpu.memory_space<vmem>>, vector<16xi32>,
          %bitcast3A_231 = vector.bitcast %get3A_230 : vector<16xi32> to vector<32xbf16>
          %add3A_232 = arith.addf %bitcast3A_227, %bitcast3A_231 : vector<32xbf16>
          %bitcast3A_233 = vector.bitcast %add3A_232 : vector<32xbf16> to vector<16xi32>
          %swap3A_234 = arith.index_cast %add3A_96 : i32 to index
          %swap3A_235 = arith.constant 160 : index
          %swap3A_236 = tpu.vector_load %arg12[%swap3A_234, %swap3A_235] {strides = array<i32>} : memref<32x256xi32, #tpu.memory_space<vmem>>, vector<16xi32>,
          tpu.vector_store %arg12[%swap3A_234, %swap3A_235], %bitcast3A_233 {strides = array<i32>} : memref<32x256xi32, #tpu.memory_space<vmem>>, vector<16xi32>,
          %get3A_237 = arith.index_cast %add3A_96 : i32 to index
          %get3A_238 = arith.constant 176 : index
          %get3A_239 = tpu.vector_load %arg12[%get3A_237, %get3A_238] {strides = array<i32>} : memref<32x256xi32, #tpu.memory_space<vmem>>, vector<16xi32>,
          %bitcast3A_240 = vector.bitcast %get3A_239 : vector<16xi32> to vector<32xbf16>
          %get3A_241 = arith.index_cast %add3A_96 : i32 to index
          %get3A_242 = arith.constant 176 : index
          %get3A_243 = tpu.vector_load %arg13[%get3A_241, %get3A_242] {strides = array<i32>} : memref<32x256xi32, #tpu.memory_space<vmem>>, vector<16xi32>,
          %bitcast3A_244 = vector.bitcast %get3A_243 : vector<16xi32> to vector<32xbf16>
          %add3A_245 = arith.addf %bitcast3A_240, %bitcast3A_244 : vector<32xbf16>
          %bitcast3A_246 = vector.bitcast %add3A_245 : vector<32xbf16> to vector<16xi32>
          %swap3A_247 = arith.index_cast %add3A_96 : i32 to index
          %swap3A_248 = arith.constant 176 : index
          %swap3A_249 = tpu.vector_load %arg12[%swap3A_247, %swap3A_248] {strides = array<i32>} : memref<32x256xi32, #tpu.memory_space<vmem>>, vector<16xi32>,
          tpu.vector_store %arg12[%swap3A_247, %swap3A_248], %bitcast3A_246 {strides = array<i32>} : memref<32x256xi32, #tpu.memory_space<vmem>>, vector<16xi32>,
          %get3A_250 = arith.index_cast %add3A_96 : i32 to index
          %get3A_251 = arith.constant 192 : index
          %get3A_252 = tpu.vector_load %arg12[%get3A_250, %get3A_251] {strides = array<i32>} : memref<32x256xi32, #tpu.memory_space<vmem>>, vector<16xi32>,
          %bitcast3A_253 = vector.bitcast %get3A_252 : vector<16xi32> to vector<32xbf16>
          %get3A_254 = arith.index_cast %add3A_96 : i32 to index
          %get3A_255 = arith.constant 192 : index
          %get3A_256 = tpu.vector_load %arg13[%get3A_254, %get3A_255] {strides = array<i32>} : memref<32x256xi32, #tpu.memory_space<vmem>>, vector<16xi32>,
          %bitcast3A_257 = vector.bitcast %get3A_256 : vector<16xi32> to vector<32xbf16>
          %add3A_258 = arith.addf %bitcast3A_253, %bitcast3A_257 : vector<32xbf16>
          %bitcast3A_259 = vector.bitcast %add3A_258 : vector<32xbf16> to vector<16xi32>
          %swap3A_260 = arith.index_cast %add3A_96 : i32 to index
          %swap3A_261 = arith.constant 192 : index
          %swap3A_262 = tpu.vector_load %arg12[%swap3A_260, %swap3A_261] {strides = array<i32>} : memref<32x256xi32, #tpu.memory_space<vmem>>, vector<16xi32>,
          tpu.vector_store %arg12[%swap3A_260, %swap3A_261], %bitcast3A_259 {strides = array<i32>} : memref<32x256xi32, #tpu.memory_space<vmem>>, vector<16xi32>,
          %get3A_263 = arith.index_cast %add3A_96 : i32 to index
          %get3A_264 = arith.constant 208 : index
          %get3A_265 = tpu.vector_load %arg12[%get3A_263, %get3A_264] {strides = array<i32>} : memref<32x256xi32, #tpu.memory_space<vmem>>, vector<16xi32>,
          %bitcast3A_266 = vector.bitcast %get3A_265 : vector<16xi32> to vector<32xbf16>
          %get3A_267 = arith.index_cast %add3A_96 : i32 to index
          %get3A_268 = arith.constant 208 : index
          %get3A_269 = tpu.vector_load %arg13[%get3A_267, %get3A_268] {strides = array<i32>} : memref<32x256xi32, #tpu.memory_space<vmem>>, vector<16xi32>,
          %bitcast3A_270 = vector.bitcast %get3A_269 : vector<16xi32> to vector<32xbf16>
          %add3A_271 = arith.addf %bitcast3A_266, %bitcast3A_270 : vector<32xbf16>
          %bitcast3A_272 = vector.bitcast %add3A_271 : vector<32xbf16> to vector<16xi32>
          %swap3A_273 = arith.index_cast %add3A_96 : i32 to index
          %swap3A_274 = arith.constant 208 : index
          %swap3A_275 = tpu.vector_load %arg12[%swap3A_273, %swap3A_274] {strides = array<i32>} : memref<32x256xi32, #tpu.memory_space<vmem>>, vector<16xi32>,
          tpu.vector_store %arg12[%swap3A_273, %swap3A_274], %bitcast3A_272 {strides = array<i32>} : memref<32x256xi32, #tpu.memory_space<vmem>>, vector<16xi32>,
          %get3A_276 = arith.index_cast %add3A_96 : i32 to index
          %get3A_277 = arith.constant 224 : index
          %get3A_278 = tpu.vector_load %arg12[%get3A_276, %get3A_277] {strides = array<i32>} : memref<32x256xi32, #tpu.memory_space<vmem>>, vector<16xi32>,
          %bitcast3A_279 = vector.bitcast %get3A_278 : vector<16xi32> to vector<32xbf16>
          %get3A_280 = arith.index_cast %add3A_96 : i32 to index
          %get3A_281 = arith.constant 224 : index
          %get3A_282 = tpu.vector_load %arg13[%get3A_280, %get3A_281] {strides = array<i32>} : memref<32x256xi32, #tpu.memory_space<vmem>>, vector<16xi32>,
          %bitcast3A_283 = vector.bitcast %get3A_282 : vector<16xi32> to vector<32xbf16>
          %add3A_284 = arith.addf %bitcast3A_279, %bitcast3A_283 : vector<32xbf16>
          %bitcast3A_285 = vector.bitcast %add3A_284 : vector<32xbf16> to vector<16xi32>
          %swap3A_286 = arith.index_cast %add3A_96 : i32 to index
          %swap3A_287 = arith.constant 224 : index
          %swap3A_288 = tpu.vector_load %arg12[%swap3A_286, %swap3A_287] {strides = array<i32>} : memref<32x256xi32, #tpu.memory_space<vmem>>, vector<16xi32>,
          tpu.vector_store %arg12[%swap3A_286, %swap3A_287], %bitcast3A_285 {strides = array<i32>} : memref<32x256xi32, #tpu.memory_space<vmem>>, vector<16xi32>,
          %get3A_289 = arith.index_cast %add3A_96 : i32 to index
          %get3A_290 = arith.constant 240 : index
          %get3A_291 = tpu.vector_load %arg12[%get3A_289, %get3A_290] {strides = array<i32>} : memref<32x256xi32, #tpu.memory_space<vmem>>, vector<16xi32>,
          %bitcast3A_292 = vector.bitcast %get3A_291 : vector<16xi32> to vector<32xbf16>
          %get3A_293 = arith.index_cast %add3A_96 : i32 to index
          %get3A_294 = arith.constant 240 : index
          %get3A_295 = tpu.vector_load %arg13[%get3A_293, %get3A_294] {strides = array<i32>} : memref<32x256xi32, #tpu.memory_space<vmem>>, vector<16xi32>,
          %bitcast3A_296 = vector.bitcast %get3A_295 : vector<16xi32> to vector<32xbf16>
          %add3A_297 = arith.addf %bitcast3A_292, %bitcast3A_296 : vector<32xbf16>
          %bitcast3A_298 = vector.bitcast %add3A_297 : vector<32xbf16> to vector<16xi32>
          %swap3A_299 = arith.index_cast %add3A_96 : i32 to index
          %swap3A_300 = arith.constant 240 : index
          %swap3A_301 = tpu.vector_load %arg12[%swap3A_299, %swap3A_300] {strides = array<i32>} : memref<32x256xi32, #tpu.memory_space<vmem>>, vector<16xi32>,
          tpu.vector_store %arg12[%swap3A_299, %swap3A_300], %bitcast3A_298 {strides = array<i32>} : memref<32x256xi32, #tpu.memory_space<vmem>>, vector<16xi32>,
        }
        %scan3A_78 = arith.constant 32 : i32
        %mul3A_79 = arith.constant 32 : i32
        %mul3A_80 = arith.muli %add3A_33, %mul3A_79 : i32
        %add3A_81 = arith.addi %mul3A_2, %mul3A_80 : i32
        %dma_start3A_82 = arith.constant 0 : i32
        %dma_start3A_83 = tpu.memref_slice %arg8[%add3A_81, %dma_start3A_82] : memref<160000x256xi32, #tpu.memory_space<hbm>> -> memref<32x256xi32, #tpu.memory_space<hbm>>
        %dma_start3A_84 = arith.constant 0 : i32
        %dma_start3A_85 = tpu.memref_slice %arg8[%add3A_81, %dma_start3A_84] : memref<160000x256xi32, #tpu.memory_space<hbm>> -> memref<32x256xi32, #tpu.memory_space<hbm>>
        tpu.enqueue_dma source(%arg12 : memref<32x256xi32, #tpu.memory_space<vmem>>) target(%dma_start3A_85 : memref<32x256xi32, #tpu.memory_space<hbm>>) target_semaphore(%arg22 : memref<!tpu.dma_semaphore, #tpu.memory_space<semaphore_mem>>)
        %dma_start3A_86 = tpu.memref_slice %arg9[%add3A_81] : memref<160000xf32, #tpu.memory_space<hbm>> -> memref<32xf32, #tpu.memory_space<hbm>>
        %dma_start3A_87 = tpu.memref_slice %arg9[%add3A_81] : memref<160000xf32, #tpu.memory_space<hbm>> -> memref<32xf32, #tpu.memory_space<hbm>>
        tpu.enqueue_dma source(%arg16 : memref<32xf32, #tpu.memory_space<vmem>>) target(%dma_start3A_87 : memref<32xf32, #tpu.memory_space<hbm>>) target_semaphore(%arg22 : memref<!tpu.dma_semaphore, #tpu.memory_space<semaphore_mem>>)
        %lt3A_88 = arith.cmpi slt, %add3A_35, %select_n3A : i32
        %convert_element_type3A_89 = arith.extui %lt3A_88 : i1 to i32
        %cond3A_90 = arith.constant 0 : i32
        %cond3A_91 = arith.cmpi ne, %convert_element_type3A_89, %cond3A_90 : i32
        scf.if %cond3A_91 {
          %mul3A_92 = arith.constant 32 : i32
          %mul3A_93 = arith.muli %add3A_35, %mul3A_92 : i32
          %scan3A_94 = arith.constant 0 : i32
          %scan3A_95 = arith.constant 2 : i32
          %scan3A_96 = arith.addi %scan3A_94, %scan3A_95 : i32
          %scan3A_97 = arith.constant 1 : i32
          scf.for %scan3A_123 = %scan3A_94 to %scan3A_96 step %scan3A_97  : i32 {
            %mul3A_124 = arith.constant 16 : i32
            %mul3A_125 = arith.muli %scan3A_123, %mul3A_124 : i32
            %add3A_126 = arith.constant 0 : i32
            %add3A_127 = arith.addi %add3A_126, %mul3A_125 : i32
            %add3A_128 = arith.addi %mul3A_93, %add3A_127 : i32
            %get3A = arith.index_cast %add3A_128 : i32 to index
            %get3A_129 = tpu.vector_load %arg10[%get3A] {strides = array<i32>} : memref<5024xi32, #tpu.memory_space<vmem>>, vector<16xi32>,
            %add3A_130 = arith.addi %mul3A_93, %add3A_127 : i32
            %get3A_131 = arith.index_cast %add3A_130 : i32 to index
            %get3A_132 = tpu.vector_load %arg11[%get3A_131] {strides = array<i32>} : memref<5024xi32, #tpu.memory_space<vmem>>, vector<16xi32>,
            %gather3A = tpu.vector_load_idx %arg18[%get3A_129] : memref<10000xf32, #tpu.memory_space<vmem>>[vector<16xi32>], vector<16xf32>,
            %gather3A_133 = tpu.vector_load_idx %arg19[%get3A_132] : memref<10000xf32, #tpu.memory_space<vmem>>[vector<16xi32>], vector<16xf32>,
            %add3A_134 = arith.addf %gather3A, %gather3A_133 : vector<16xf32>
            %swap3A = arith.index_cast %add3A_127 : i32 to index
            %swap3A_135 = tpu.vector_load %arg17[%swap3A] {strides = array<i32>} : memref<32xf32, #tpu.memory_space<vmem>>, vector<16xf32>,
            tpu.vector_store %arg17[%swap3A], %add3A_134 {strides = array<i32>} : memref<32xf32, #tpu.memory_space<vmem>>, vector<16xf32>,
          }
          %scan3A_98 = arith.constant 2 : i32
          %dma_wait3A_99 = arith.constant 0 : i32
          %dma_wait3A_100 = tpu.memref_slice %arg10[%dma_wait3A_99] : memref<5024xi32, #tpu.memory_space<vmem>> -> memref<32xi32, #tpu.memory_space<vmem>>
          %dma_wait3A_101 = arith.constant 0 : i32
          %dma_wait3A_102 = arith.constant 0 : i32
          %dma_wait3A_103 = tpu.memref_slice %arg2[%dma_wait3A_101, %dma_wait3A_102] : memref<10000x256xi32, #tpu.memory_space<hbm>> -> memref<10000x256xi32, #tpu.memory_space<hbm>>
          tpu.wait_indirect_dma semaphore(%arg21 : memref<!tpu.dma_semaphore, #tpu.memory_space<semaphore_mem>>) src(%dma_wait3A_103 : memref<10000x256xi32, #tpu.memory_space<hbm>>) dst(%arg14 : memref<32x256xi32, #tpu.memory_space<vmem>>)
          %dma_wait3A_104 = arith.constant 0 : i32
          %dma_wait3A_105 = tpu.memref_slice %arg11[%dma_wait3A_104] : memref<5024xi32, #tpu.memory_space<vmem>> -> memref<32xi32, #tpu.memory_space<vmem>>
          %dma_wait3A_106 = arith.constant 0 : i32
          %dma_wait3A_107 = arith.constant 0 : i32
          %dma_wait3A_108 = tpu.memref_slice %arg3[%dma_wait3A_106, %dma_wait3A_107] : memref<10000x256xi32, #tpu.memory_space<hbm>> -> memref<10000x256xi32, #tpu.memory_space<hbm>>
          tpu.wait_indirect_dma semaphore(%arg21 : memref<!tpu.dma_semaphore, #tpu.memory_space<semaphore_mem>>) src(%dma_wait3A_108 : memref<10000x256xi32, #tpu.memory_space<hbm>>) dst(%arg15 : memref<32x256xi32, #tpu.memory_space<vmem>>)
          %scan3A_109 = arith.constant 0 : i32
          %scan3A_110 = arith.constant 32 : i32
          %scan3A_111 = arith.addi %scan3A_109, %scan3A_110 : i32
          %scan3A_112 = arith.constant 1 : i32
          scf.for %scan3A_123 = %scan3A_109 to %scan3A_111 step %scan3A_112  : i32 {
            %mul3A_124 = arith.constant 1 : i32
            %mul3A_125 = arith.muli %scan3A_123, %mul3A_124 : i32
            %add3A_126 = arith.constant 0 : i32
            %add3A_127 = arith.addi %add3A_126, %mul3A_125 : i32
            %get3A = arith.index_cast %add3A_127 : i32 to index
            %get3A_128 = arith.constant 0 : index
            %get3A_129 = tpu.vector_load %arg14[%get3A, %get3A_128] {strides = array<i32>} : memref<32x256xi32, #tpu.memory_space<vmem>>, vector<16xi32>,
            %bitcast3A = vector.bitcast %get3A_129 : vector<16xi32> to vector<32xbf16>
            %get3A_130 = arith.index_cast %add3A_127 : i32 to index
            %get3A_131 = arith.constant 0 : index
            %get3A_132 = tpu.vector_load %arg15[%get3A_130, %get3A_131] {strides = array<i32>} : memref<32x256xi32, #tpu.memory_space<vmem>>, vector<16xi32>,
            %bitcast3A_133 = vector.bitcast %get3A_132 : vector<16xi32> to vector<32xbf16>
            %add3A_134 = arith.addf %bitcast3A, %bitcast3A_133 : vector<32xbf16>
            %bitcast3A_135 = vector.bitcast %add3A_134 : vector<32xbf16> to vector<16xi32>
            %swap3A = arith.index_cast %add3A_127 : i32 to index
            %swap3A_136 = arith.constant 0 : index
            %swap3A_137 = tpu.vector_load %arg14[%swap3A, %swap3A_136] {strides = array<i32>} : memref<32x256xi32, #tpu.memory_space<vmem>>, vector<16xi32>,
            tpu.vector_store %arg14[%swap3A, %swap3A_136], %bitcast3A_135 {strides = array<i32>} : memref<32x256xi32, #tpu.memory_space<vmem>>, vector<16xi32>,
            %get3A_138 = arith.index_cast %add3A_127 : i32 to index
            %get3A_139 = arith.constant 16 : index
            %get3A_140 = tpu.vector_load %arg14[%get3A_138, %get3A_139] {strides = array<i32>} : memref<32x256xi32, #tpu.memory_space<vmem>>, vector<16xi32>,
            %bitcast3A_141 = vector.bitcast %get3A_140 : vector<16xi32> to vector<32xbf16>
            %get3A_142 = arith.index_cast %add3A_127 : i32 to index
            %get3A_143 = arith.constant 16 : index
            %get3A_144 = tpu.vector_load %arg15[%get3A_142, %get3A_143] {strides = array<i32>} : memref<32x256xi32, #tpu.memory_space<vmem>>, vector<16xi32>,
            %bitcast3A_145 = vector.bitcast %get3A_144 : vector<16xi32> to vector<32xbf16>
            %add3A_146 = arith.addf %bitcast3A_141, %bitcast3A_145 : vector<32xbf16>
            %bitcast3A_147 = vector.bitcast %add3A_146 : vector<32xbf16> to vector<16xi32>
            %swap3A_148 = arith.index_cast %add3A_127 : i32 to index
            %swap3A_149 = arith.constant 16 : index
            %swap3A_150 = tpu.vector_load %arg14[%swap3A_148, %swap3A_149] {strides = array<i32>} : memref<32x256xi32, #tpu.memory_space<vmem>>, vector<16xi32>,
            tpu.vector_store %arg14[%swap3A_148, %swap3A_149], %bitcast3A_147 {strides = array<i32>} : memref<32x256xi32, #tpu.memory_space<vmem>>, vector<16xi32>,
            %get3A_151 = arith.index_cast %add3A_127 : i32 to index
            %get3A_152 = arith.constant 32 : index
            %get3A_153 = tpu.vector_load %arg14[%get3A_151, %get3A_152] {strides = array<i32>} : memref<32x256xi32, #tpu.memory_space<vmem>>, vector<16xi32>,
            %bitcast3A_154 = vector.bitcast %get3A_153 : vector<16xi32> to vector<32xbf16>
            %get3A_155 = arith.index_cast %add3A_127 : i32 to index
            %get3A_156 = arith.constant 32 : index
            %get3A_157 = tpu.vector_load %arg15[%get3A_155, %get3A_156] {strides = array<i32>} : memref<32x256xi32, #tpu.memory_space<vmem>>, vector<16xi32>,
            %bitcast3A_158 = vector.bitcast %get3A_157 : vector<16xi32> to vector<32xbf16>
            %add3A_159 = arith.addf %bitcast3A_154, %bitcast3A_158 : vector<32xbf16>
            %bitcast3A_160 = vector.bitcast %add3A_159 : vector<32xbf16> to vector<16xi32>
            %swap3A_161 = arith.index_cast %add3A_127 : i32 to index
            %swap3A_162 = arith.constant 32 : index
            %swap3A_163 = tpu.vector_load %arg14[%swap3A_161, %swap3A_162] {strides = array<i32>} : memref<32x256xi32, #tpu.memory_space<vmem>>, vector<16xi32>,
            tpu.vector_store %arg14[%swap3A_161, %swap3A_162], %bitcast3A_160 {strides = array<i32>} : memref<32x256xi32, #tpu.memory_space<vmem>>, vector<16xi32>,
            %get3A_164 = arith.index_cast %add3A_127 : i32 to index
            %get3A_165 = arith.constant 48 : index
            %get3A_166 = tpu.vector_load %arg14[%get3A_164, %get3A_165] {strides = array<i32>} : memref<32x256xi32, #tpu.memory_space<vmem>>, vector<16xi32>,
            %bitcast3A_167 = vector.bitcast %get3A_166 : vector<16xi32> to vector<32xbf16>
            %get3A_168 = arith.index_cast %add3A_127 : i32 to index
            %get3A_169 = arith.constant 48 : index
            %get3A_170 = tpu.vector_load %arg15[%get3A_168, %get3A_169] {strides = array<i32>} : memref<32x256xi32, #tpu.memory_space<vmem>>, vector<16xi32>,
            %bitcast3A_171 = vector.bitcast %get3A_170 : vector<16xi32> to vector<32xbf16>
            %add3A_172 = arith.addf %bitcast3A_167, %bitcast3A_171 : vector<32xbf16>
            %bitcast3A_173 = vector.bitcast %add3A_172 : vector<32xbf16> to vector<16xi32>
            %swap3A_174 = arith.index_cast %add3A_127 : i32 to index
            %swap3A_175 = arith.constant 48 : index
            %swap3A_176 = tpu.vector_load %arg14[%swap3A_174, %swap3A_175] {strides = array<i32>} : memref<32x256xi32, #tpu.memory_space<vmem>>, vector<16xi32>,
            tpu.vector_store %arg14[%swap3A_174, %swap3A_175], %bitcast3A_173 {strides = array<i32>} : memref<32x256xi32, #tpu.memory_space<vmem>>, vector<16xi32>,
            %get3A_177 = arith.index_cast %add3A_127 : i32 to index
            %get3A_178 = arith.constant 64 : index
            %get3A_179 = tpu.vector_load %arg14[%get3A_177, %get3A_178] {strides = array<i32>} : memref<32x256xi32, #tpu.memory_space<vmem>>, vector<16xi32>,
            %bitcast3A_180 = vector.bitcast %get3A_179 : vector<16xi32> to vector<32xbf16>
            %get3A_181 = arith.index_cast %add3A_127 : i32 to index
            %get3A_182 = arith.constant 64 : index
            %get3A_183 = tpu.vector_load %arg15[%get3A_181, %get3A_182] {strides = array<i32>} : memref<32x256xi32, #tpu.memory_space<vmem>>, vector<16xi32>,
            %bitcast3A_184 = vector.bitcast %get3A_183 : vector<16xi32> to vector<32xbf16>
            %add3A_185 = arith.addf %bitcast3A_180, %bitcast3A_184 : vector<32xbf16>
            %bitcast3A_186 = vector.bitcast %add3A_185 : vector<32xbf16> to vector<16xi32>
            %swap3A_187 = arith.index_cast %add3A_127 : i32 to index
            %swap3A_188 = arith.constant 64 : index
            %swap3A_189 = tpu.vector_load %arg14[%swap3A_187, %swap3A_188] {strides = array<i32>} : memref<32x256xi32, #tpu.memory_space<vmem>>, vector<16xi32>,
            tpu.vector_store %arg14[%swap3A_187, %swap3A_188], %bitcast3A_186 {strides = array<i32>} : memref<32x256xi32, #tpu.memory_space<vmem>>, vector<16xi32>,
            %get3A_190 = arith.index_cast %add3A_127 : i32 to index
            %get3A_191 = arith.constant 80 : index
            %get3A_192 = tpu.vector_load %arg14[%get3A_190, %get3A_191] {strides = array<i32>} : memref<32x256xi32, #tpu.memory_space<vmem>>, vector<16xi32>,
            %bitcast3A_193 = vector.bitcast %get3A_192 : vector<16xi32> to vector<32xbf16>
            %get3A_194 = arith.index_cast %add3A_127 : i32 to index
            %get3A_195 = arith.constant 80 : index
            %get3A_196 = tpu.vector_load %arg15[%get3A_194, %get3A_195] {strides = array<i32>} : memref<32x256xi32, #tpu.memory_space<vmem>>, vector<16xi32>,
            %bitcast3A_197 = vector.bitcast %get3A_196 : vector<16xi32> to vector<32xbf16>
            %add3A_198 = arith.addf %bitcast3A_193, %bitcast3A_197 : vector<32xbf16>
            %bitcast3A_199 = vector.bitcast %add3A_198 : vector<32xbf16> to vector<16xi32>
            %swap3A_200 = arith.index_cast %add3A_127 : i32 to index
            %swap3A_201 = arith.constant 80 : index
            %swap3A_202 = tpu.vector_load %arg14[%swap3A_200, %swap3A_201] {strides = array<i32>} : memref<32x256xi32, #tpu.memory_space<vmem>>, vector<16xi32>,
            tpu.vector_store %arg14[%swap3A_200, %swap3A_201], %bitcast3A_199 {strides = array<i32>} : memref<32x256xi32, #tpu.memory_space<vmem>>, vector<16xi32>,
            %get3A_203 = arith.index_cast %add3A_127 : i32 to index
            %get3A_204 = arith.constant 96 : index
            %get3A_205 = tpu.vector_load %arg14[%get3A_203, %get3A_204] {strides = array<i32>} : memref<32x256xi32, #tpu.memory_space<vmem>>, vector<16xi32>,
            %bitcast3A_206 = vector.bitcast %get3A_205 : vector<16xi32> to vector<32xbf16>
            %get3A_207 = arith.index_cast %add3A_127 : i32 to index
            %get3A_208 = arith.constant 96 : index
            %get3A_209 = tpu.vector_load %arg15[%get3A_207, %get3A_208] {strides = array<i32>} : memref<32x256xi32, #tpu.memory_space<vmem>>, vector<16xi32>,
            %bitcast3A_210 = vector.bitcast %get3A_209 : vector<16xi32> to vector<32xbf16>
            %add3A_211 = arith.addf %bitcast3A_206, %bitcast3A_210 : vector<32xbf16>
            %bitcast3A_212 = vector.bitcast %add3A_211 : vector<32xbf16> to vector<16xi32>
            %swap3A_213 = arith.index_cast %add3A_127 : i32 to index
            %swap3A_214 = arith.constant 96 : index
            %swap3A_215 = tpu.vector_load %arg14[%swap3A_213, %swap3A_214] {strides = array<i32>} : memref<32x256xi32, #tpu.memory_space<vmem>>, vector<16xi32>,
            tpu.vector_store %arg14[%swap3A_213, %swap3A_214], %bitcast3A_212 {strides = array<i32>} : memref<32x256xi32, #tpu.memory_space<vmem>>, vector<16xi32>,
            %get3A_216 = arith.index_cast %add3A_127 : i32 to index
            %get3A_217 = arith.constant 112 : index
            %get3A_218 = tpu.vector_load %arg14[%get3A_216, %get3A_217] {strides = array<i32>} : memref<32x256xi32, #tpu.memory_space<vmem>>, vector<16xi32>,
            %bitcast3A_219 = vector.bitcast %get3A_218 : vector<16xi32> to vector<32xbf16>
            %get3A_220 = arith.index_cast %add3A_127 : i32 to index
            %get3A_221 = arith.constant 112 : index
            %get3A_222 = tpu.vector_load %arg15[%get3A_220, %get3A_221] {strides = array<i32>} : memref<32x256xi32, #tpu.memory_space<vmem>>, vector<16xi32>,
            %bitcast3A_223 = vector.bitcast %get3A_222 : vector<16xi32> to vector<32xbf16>
            %add3A_224 = arith.addf %bitcast3A_219, %bitcast3A_223 : vector<32xbf16>
            %bitcast3A_225 = vector.bitcast %add3A_224 : vector<32xbf16> to vector<16xi32>
            %swap3A_226 = arith.index_cast %add3A_127 : i32 to index
            %swap3A_227 = arith.constant 112 : index
            %swap3A_228 = tpu.vector_load %arg14[%swap3A_226, %swap3A_227] {strides = array<i32>} : memref<32x256xi32, #tpu.memory_space<vmem>>, vector<16xi32>,
            tpu.vector_store %arg14[%swap3A_226, %swap3A_227], %bitcast3A_225 {strides = array<i32>} : memref<32x256xi32, #tpu.memory_space<vmem>>, vector<16xi32>,
            %get3A_229 = arith.index_cast %add3A_127 : i32 to index
            %get3A_230 = arith.constant 128 : index
            %get3A_231 = tpu.vector_load %arg14[%get3A_229, %get3A_230] {strides = array<i32>} : memref<32x256xi32, #tpu.memory_space<vmem>>, vector<16xi32>,
            %bitcast3A_232 = vector.bitcast %get3A_231 : vector<16xi32> to vector<32xbf16>
            %get3A_233 = arith.index_cast %add3A_127 : i32 to index
            %get3A_234 = arith.constant 128 : index
            %get3A_235 = tpu.vector_load %arg15[%get3A_233, %get3A_234] {strides = array<i32>} : memref<32x256xi32, #tpu.memory_space<vmem>>, vector<16xi32>,
            %bitcast3A_236 = vector.bitcast %get3A_235 : vector<16xi32> to vector<32xbf16>
            %add3A_237 = arith.addf %bitcast3A_232, %bitcast3A_236 : vector<32xbf16>
            %bitcast3A_238 = vector.bitcast %add3A_237 : vector<32xbf16> to vector<16xi32>
            %swap3A_239 = arith.index_cast %add3A_127 : i32 to index
            %swap3A_240 = arith.constant 128 : index
            %swap3A_241 = tpu.vector_load %arg14[%swap3A_239, %swap3A_240] {strides = array<i32>} : memref<32x256xi32, #tpu.memory_space<vmem>>, vector<16xi32>,
            tpu.vector_store %arg14[%swap3A_239, %swap3A_240], %bitcast3A_238 {strides = array<i32>} : memref<32x256xi32, #tpu.memory_space<vmem>>, vector<16xi32>,
            %get3A_242 = arith.index_cast %add3A_127 : i32 to index
            %get3A_243 = arith.constant 144 : index
            %get3A_244 = tpu.vector_load %arg14[%get3A_242, %get3A_243] {strides = array<i32>} : memref<32x256xi32, #tpu.memory_space<vmem>>, vector<16xi32>,
            %bitcast3A_245 = vector.bitcast %get3A_244 : vector<16xi32> to vector<32xbf16>
            %get3A_246 = arith.index_cast %add3A_127 : i32 to index
            %get3A_247 = arith.constant 144 : index
            %get3A_248 = tpu.vector_load %arg15[%get3A_246, %get3A_247] {strides = array<i32>} : memref<32x256xi32, #tpu.memory_space<vmem>>, vector<16xi32>,
            %bitcast3A_249 = vector.bitcast %get3A_248 : vector<16xi32> to vector<32xbf16>
            %add3A_250 = arith.addf %bitcast3A_245, %bitcast3A_249 : vector<32xbf16>
            %bitcast3A_251 = vector.bitcast %add3A_250 : vector<32xbf16> to vector<16xi32>
            %swap3A_252 = arith.index_cast %add3A_127 : i32 to index
            %swap3A_253 = arith.constant 144 : index
            %swap3A_254 = tpu.vector_load %arg14[%swap3A_252, %swap3A_253] {strides = array<i32>} : memref<32x256xi32, #tpu.memory_space<vmem>>, vector<16xi32>,
            tpu.vector_store %arg14[%swap3A_252, %swap3A_253], %bitcast3A_251 {strides = array<i32>} : memref<32x256xi32, #tpu.memory_space<vmem>>, vector<16xi32>,
            %get3A_255 = arith.index_cast %add3A_127 : i32 to index
            %get3A_256 = arith.constant 160 : index
            %get3A_257 = tpu.vector_load %arg14[%get3A_255, %get3A_256] {strides = array<i32>} : memref<32x256xi32, #tpu.memory_space<vmem>>, vector<16xi32>,
            %bitcast3A_258 = vector.bitcast %get3A_257 : vector<16xi32> to vector<32xbf16>
            %get3A_259 = arith.index_cast %add3A_127 : i32 to index
            %get3A_260 = arith.constant 160 : index
            %get3A_261 = tpu.vector_load %arg15[%get3A_259, %get3A_260] {strides = array<i32>} : memref<32x256xi32, #tpu.memory_space<vmem>>, vector<16xi32>,
            %bitcast3A_262 = vector.bitcast %get3A_261 : vector<16xi32> to vector<32xbf16>
            %add3A_263 = arith.addf %bitcast3A_258, %bitcast3A_262 : vector<32xbf16>
            %bitcast3A_264 = vector.bitcast %add3A_263 : vector<32xbf16> to vector<16xi32>
            %swap3A_265 = arith.index_cast %add3A_127 : i32 to index
            %swap3A_266 = arith.constant 160 : index
            %swap3A_267 = tpu.vector_load %arg14[%swap3A_265, %swap3A_266] {strides = array<i32>} : memref<32x256xi32, #tpu.memory_space<vmem>>, vector<16xi32>,
            tpu.vector_store %arg14[%swap3A_265, %swap3A_266], %bitcast3A_264 {strides = array<i32>} : memref<32x256xi32, #tpu.memory_space<vmem>>, vector<16xi32>,
            %get3A_268 = arith.index_cast %add3A_127 : i32 to index
            %get3A_269 = arith.constant 176 : index
            %get3A_270 = tpu.vector_load %arg14[%get3A_268, %get3A_269] {strides = array<i32>} : memref<32x256xi32, #tpu.memory_space<vmem>>, vector<16xi32>,
            %bitcast3A_271 = vector.bitcast %get3A_270 : vector<16xi32> to vector<32xbf16>
            %get3A_272 = arith.index_cast %add3A_127 : i32 to index
            %get3A_273 = arith.constant 176 : index
            %get3A_274 = tpu.vector_load %arg15[%get3A_272, %get3A_273] {strides = array<i32>} : memref<32x256xi32, #tpu.memory_space<vmem>>, vector<16xi32>,
            %bitcast3A_275 = vector.bitcast %get3A_274 : vector<16xi32> to vector<32xbf16>
            %add3A_276 = arith.addf %bitcast3A_271, %bitcast3A_275 : vector<32xbf16>
            %bitcast3A_277 = vector.bitcast %add3A_276 : vector<32xbf16> to vector<16xi32>
            %swap3A_278 = arith.index_cast %add3A_127 : i32 to index
            %swap3A_279 = arith.constant 176 : index
            %swap3A_280 = tpu.vector_load %arg14[%swap3A_278, %swap3A_279] {strides = array<i32>} : memref<32x256xi32, #tpu.memory_space<vmem>>, vector<16xi32>,
            tpu.vector_store %arg14[%swap3A_278, %swap3A_279], %bitcast3A_277 {strides = array<i32>} : memref<32x256xi32, #tpu.memory_space<vmem>>, vector<16xi32>,
            %get3A_281 = arith.index_cast %add3A_127 : i32 to index
            %get3A_282 = arith.constant 192 : index
            %get3A_283 = tpu.vector_load %arg14[%get3A_281, %get3A_282] {strides = array<i32>} : memref<32x256xi32, #tpu.memory_space<vmem>>, vector<16xi32>,
            %bitcast3A_284 = vector.bitcast %get3A_283 : vector<16xi32> to vector<32xbf16>
            %get3A_285 = arith.index_cast %add3A_127 : i32 to index
            %get3A_286 = arith.constant 192 : index
            %get3A_287 = tpu.vector_load %arg15[%get3A_285, %get3A_286] {strides = array<i32>} : memref<32x256xi32, #tpu.memory_space<vmem>>, vector<16xi32>,
            %bitcast3A_288 = vector.bitcast %get3A_287 : vector<16xi32> to vector<32xbf16>
            %add3A_289 = arith.addf %bitcast3A_284, %bitcast3A_288 : vector<32xbf16>
            %bitcast3A_290 = vector.bitcast %add3A_289 : vector<32xbf16> to vector<16xi32>
            %swap3A_291 = arith.index_cast %add3A_127 : i32 to index
            %swap3A_292 = arith.constant 192 : index
            %swap3A_293 = tpu.vector_load %arg14[%swap3A_291, %swap3A_292] {strides = array<i32>} : memref<32x256xi32, #tpu.memory_space<vmem>>, vector<16xi32>,
            tpu.vector_store %arg14[%swap3A_291, %swap3A_292], %bitcast3A_290 {strides = array<i32>} : memref<32x256xi32, #tpu.memory_space<vmem>>, vector<16xi32>,
            %get3A_294 = arith.index_cast %add3A_127 : i32 to index
            %get3A_295 = arith.constant 208 : index
            %get3A_296 = tpu.vector_load %arg14[%get3A_294, %get3A_295] {strides = array<i32>} : memref<32x256xi32, #tpu.memory_space<vmem>>, vector<16xi32>,
            %bitcast3A_297 = vector.bitcast %get3A_296 : vector<16xi32> to vector<32xbf16>
            %get3A_298 = arith.index_cast %add3A_127 : i32 to index
            %get3A_299 = arith.constant 208 : index
            %get3A_300 = tpu.vector_load %arg15[%get3A_298, %get3A_299] {strides = array<i32>} : memref<32x256xi32, #tpu.memory_space<vmem>>, vector<16xi32>,
            %bitcast3A_301 = vector.bitcast %get3A_300 : vector<16xi32> to vector<32xbf16>
            %add3A_302 = arith.addf %bitcast3A_297, %bitcast3A_301 : vector<32xbf16>
            %bitcast3A_303 = vector.bitcast %add3A_302 : vector<32xbf16> to vector<16xi32>
            %swap3A_304 = arith.index_cast %add3A_127 : i32 to index
            %swap3A_305 = arith.constant 208 : index
            %swap3A_306 = tpu.vector_load %arg14[%swap3A_304, %swap3A_305] {strides = array<i32>} : memref<32x256xi32, #tpu.memory_space<vmem>>, vector<16xi32>,
            tpu.vector_store %arg14[%swap3A_304, %swap3A_305], %bitcast3A_303 {strides = array<i32>} : memref<32x256xi32, #tpu.memory_space<vmem>>, vector<16xi32>,
            %get3A_307 = arith.index_cast %add3A_127 : i32 to index
            %get3A_308 = arith.constant 224 : index
            %get3A_309 = tpu.vector_load %arg14[%get3A_307, %get3A_308] {strides = array<i32>} : memref<32x256xi32, #tpu.memory_space<vmem>>, vector<16xi32>,
            %bitcast3A_310 = vector.bitcast %get3A_309 : vector<16xi32> to vector<32xbf16>
            %get3A_311 = arith.index_cast %add3A_127 : i32 to index
            %get3A_312 = arith.constant 224 : index
            %get3A_313 = tpu.vector_load %arg15[%get3A_311, %get3A_312] {strides = array<i32>} : memref<32x256xi32, #tpu.memory_space<vmem>>, vector<16xi32>,
            %bitcast3A_314 = vector.bitcast %get3A_313 : vector<16xi32> to vector<32xbf16>
            %add3A_315 = arith.addf %bitcast3A_310, %bitcast3A_314 : vector<32xbf16>
            %bitcast3A_316 = vector.bitcast %add3A_315 : vector<32xbf16> to vector<16xi32>
            %swap3A_317 = arith.index_cast %add3A_127 : i32 to index
            %swap3A_318 = arith.constant 224 : index
            %swap3A_319 = tpu.vector_load %arg14[%swap3A_317, %swap3A_318] {strides = array<i32>} : memref<32x256xi32, #tpu.memory_space<vmem>>, vector<16xi32>,
            tpu.vector_store %arg14[%swap3A_317, %swap3A_318], %bitcast3A_316 {strides = array<i32>} : memref<32x256xi32, #tpu.memory_space<vmem>>, vector<16xi32>,
            %get3A_320 = arith.index_cast %add3A_127 : i32 to index
            %get3A_321 = arith.constant 240 : index
            %get3A_322 = tpu.vector_load %arg14[%get3A_320, %get3A_321] {strides = array<i32>} : memref<32x256xi32, #tpu.memory_space<vmem>>, vector<16xi32>,
            %bitcast3A_323 = vector.bitcast %get3A_322 : vector<16xi32> to vector<32xbf16>
            %get3A_324 = arith.index_cast %add3A_127 : i32 to index
            %get3A_325 = arith.constant 240 : index
            %get3A_326 = tpu.vector_load %arg15[%get3A_324, %get3A_325] {strides = array<i32>} : memref<32x256xi32, #tpu.memory_space<vmem>>, vector<16xi32>,
            %bitcast3A_327 = vector.bitcast %get3A_326 : vector<16xi32> to vector<32xbf16>
            %add3A_328 = arith.addf %bitcast3A_323, %bitcast3A_327 : vector<32xbf16>
            %bitcast3A_329 = vector.bitcast %add3A_328 : vector<32xbf16> to vector<16xi32>
            %swap3A_330 = arith.index_cast %add3A_127 : i32 to index
            %swap3A_331 = arith.constant 240 : index
            %swap3A_332 = tpu.vector_load %arg14[%swap3A_330, %swap3A_331] {strides = array<i32>} : memref<32x256xi32, #tpu.memory_space<vmem>>, vector<16xi32>,
            tpu.vector_store %arg14[%swap3A_330, %swap3A_331], %bitcast3A_329 {strides = array<i32>} : memref<32x256xi32, #tpu.memory_space<vmem>>, vector<16xi32>,
          }
          %scan3A_113 = arith.constant 32 : i32
          %mul3A_114 = arith.constant 32 : i32
          %mul3A_115 = arith.muli %add3A_35, %mul3A_114 : i32
          %add3A_116 = arith.addi %mul3A_2, %mul3A_115 : i32
          %dma_start3A_117 = arith.constant 0 : i32
          %dma_start3A_118 = tpu.memref_slice %arg8[%add3A_116, %dma_start3A_117] : memref<160000x256xi32, #tpu.memory_space<hbm>> -> memref<32x256xi32, #tpu.memory_space<hbm>>
          %dma_start3A_119 = arith.constant 0 : i32
          %dma_start3A_120 = tpu.memref_slice %arg8[%add3A_116, %dma_start3A_119] : memref<160000x256xi32, #tpu.memory_space<hbm>> -> memref<32x256xi32, #tpu.memory_space<hbm>>
          tpu.enqueue_dma source(%arg14 : memref<32x256xi32, #tpu.memory_space<vmem>>) target(%dma_start3A_120 : memref<32x256xi32, #tpu.memory_space<hbm>>) target_semaphore(%arg23 : memref<!tpu.dma_semaphore, #tpu.memory_space<semaphore_mem>>)
          %dma_start3A_121 = tpu.memref_slice %arg9[%add3A_116] : memref<160000xf32, #tpu.memory_space<hbm>> -> memref<32xf32, #tpu.memory_space<hbm>>
          %dma_start3A_122 = tpu.memref_slice %arg9[%add3A_116] : memref<160000xf32, #tpu.memory_space<hbm>> -> memref<32xf32, #tpu.memory_space<hbm>>
          tpu.enqueue_dma source(%arg17 : memref<32xf32, #tpu.memory_space<vmem>>) target(%dma_start3A_122 : memref<32xf32, #tpu.memory_space<hbm>>) target_semaphore(%arg23 : memref<!tpu.dma_semaphore, #tpu.memory_space<semaphore_mem>>)
        } else {
        }
      } else {
      }
    }
    %scan3A_15 = arith.constant 79 : i32
    %dma_wait3A = arith.constant 0 : i32
    %dma_wait3A_16 = arith.constant 0 : i32
    %dma_wait3A_17 = tpu.memref_slice %arg8[%dma_wait3A, %dma_wait3A_16] : memref<160000x256xi32, #tpu.memory_space<hbm>> -> memref<32x256xi32, #tpu.memory_space<hbm>>
    %dma_wait3A_18 = arith.constant 0 : i32
    %dma_wait3A_19 = arith.constant 0 : i32
    %dma_wait3A_20 = tpu.memref_slice %arg8[%dma_wait3A_18, %dma_wait3A_19] : memref<160000x256xi32, #tpu.memory_space<hbm>> -> memref<32x256xi32, #tpu.memory_space<hbm>>
    tpu.wait_dma2 semaphore(%arg22 : memref<!tpu.dma_semaphore, #tpu.memory_space<semaphore_mem>>) src(%arg12 : memref<32x256xi32, #tpu.memory_space<vmem>>) dst(%dma_wait3A_20 : memref<32x256xi32, #tpu.memory_space<hbm>>)
    %dma_wait3A_21 = arith.constant 0 : i32
    %dma_wait3A_22 = tpu.memref_slice %arg9[%dma_wait3A_21] : memref<160000xf32, #tpu.memory_space<hbm>> -> memref<32xf32, #tpu.memory_space<hbm>>
    %dma_wait3A_23 = arith.constant 0 : i32
    %dma_wait3A_24 = tpu.memref_slice %arg9[%dma_wait3A_23] : memref<160000xf32, #tpu.memory_space<hbm>> -> memref<32xf32, #tpu.memory_space<hbm>>
    tpu.wait_dma2 semaphore(%arg22 : memref<!tpu.dma_semaphore, #tpu.memory_space<semaphore_mem>>) src(%arg16 : memref<32xf32, #tpu.memory_space<vmem>>) dst(%dma_wait3A_24 : memref<32xf32, #tpu.memory_space<hbm>>)
    %ge3A = arith.constant 2 : i32
    %ge3A_25 = arith.cmpi sge, %select_n3A, %ge3A : i32
    %convert_element_type3A_26 = arith.extui %ge3A_25 : i1 to i32
    %cond3A_27 = arith.constant 0 : i32
    %cond3A_28 = arith.cmpi ne, %convert_element_type3A_26, %cond3A_27 : i32
    scf.if %cond3A_28 {
      %dma_wait3A_29 = arith.constant 0 : i32
      %dma_wait3A_30 = arith.constant 0 : i32
      %dma_wait3A_31 = tpu.memref_slice %arg8[%dma_wait3A_29, %dma_wait3A_30] : memref<160000x256xi32, #tpu.memory_space<hbm>> -> memref<32x256xi32, #tpu.memory_space<hbm>>
      %dma_wait3A_32 = arith.constant 0 : i32
      %dma_wait3A_33 = arith.constant 0 : i32
      %dma_wait3A_34 = tpu.memref_slice %arg8[%dma_wait3A_32, %dma_wait3A_33] : memref<160000x256xi32, #tpu.memory_space<hbm>> -> memref<32x256xi32, #tpu.memory_space<hbm>>
      tpu.wait_dma2 semaphore(%arg23 : memref<!tpu.dma_semaphore, #tpu.memory_space<semaphore_mem>>) src(%arg14 : memref<32x256xi32, #tpu.memory_space<vmem>>) dst(%dma_wait3A_34 : memref<32x256xi32, #tpu.memory_space<hbm>>)
      %dma_wait3A_35 = arith.constant 0 : i32
      %dma_wait3A_36 = tpu.memref_slice %arg9[%dma_wait3A_35] : memref<160000xf32, #tpu.memory_space<hbm>> -> memref<32xf32, #tpu.memory_space<hbm>>
      %dma_wait3A_37 = arith.constant 0 : i32
      %dma_wait3A_38 = tpu.memref_slice %arg9[%dma_wait3A_37] : memref<160000xf32, #tpu.memory_space<hbm>> -> memref<32xf32, #tpu.memory_space<hbm>>
      tpu.wait_dma2 semaphore(%arg23 : memref<!tpu.dma_semaphore, #tpu.memory_space<semaphore_mem>>) src(%arg17 : memref<32xf32, #tpu.memory_space<vmem>>) dst(%dma_wait3A_38 : memref<32xf32, #tpu.memory_space<hbm>>)
    } else {
    }
    return
  }
}

module attributes {stable_mosaic.version = 14 : i64} {
  func.func @_node_body(%arg0: i32, %arg1: memref<2000x256xf32, #tpu.memory_space<vmem>>, %arg2: memref<256x256xf32, #tpu.memory_space<vmem>>, %arg3: memref<256x256xf32, #tpu.memory_space<vmem>>, %arg4: memref<256x256xf32, #tpu.memory_space<vmem>>, %arg5: memref<1x256xf32, #tpu.memory_space<vmem>>, %arg6: memref<256x2xf32, #tpu.memory_space<vmem>>, %arg7: memref<2000x256xi32, #tpu.memory_space<vmem>>, %arg8: memref<2000x256xi32, #tpu.memory_space<vmem>>, %arg9: memref<2000x2xf32, #tpu.memory_space<vmem>>) attributes {dimension_semantics = [#tpu.dimension_semantics<arbitrary>], iteration_bounds = array<i64: 5>, scalar_prefetch = 0 : i64, scratch_operands = 0 : i64, tpu.core_type = #tpu.core_type<tc>, window_params = [{transform_indices = @transform_0, window_bounds = array<i64: 2000, 256>}, {pipeline_mode = #tpu.pipeline_mode<synchronous>, transform_indices = @transform_1, window_bounds = array<i64: 256, 256>}, {pipeline_mode = #tpu.pipeline_mode<synchronous>, transform_indices = @transform_2, window_bounds = array<i64: 256, 256>}, {pipeline_mode = #tpu.pipeline_mode<synchronous>, transform_indices = @transform_3, window_bounds = array<i64: 256, 256>}, {pipeline_mode = #tpu.pipeline_mode<synchronous>, transform_indices = @transform_4, window_bounds = array<i64: 1, 256>}, {pipeline_mode = #tpu.pipeline_mode<synchronous>, transform_indices = @transform_5, window_bounds = array<i64: 256, 2>}, {transform_indices = @transform_6, window_bounds = array<i64: 2000, 256>}, {transform_indices = @transform_7, window_bounds = array<i64: 2000, 256>}, {transform_indices = @transform_8, window_bounds = array<i64: 2000, 2>}]} {
    %get3A = arith.constant 0 : index
    %get3A_0 = arith.constant 0 : index
    %get3A_1 = vector.load %arg1[%get3A, %get3A_0] : memref<2000x256xf32, #tpu.memory_space<vmem>>, vector<2000x256xf32>
    %get3A_2 = arith.constant 0 : index
    %get3A_3 = arith.constant 0 : index
    %get3A_4 = vector.load %arg4[%get3A_2, %get3A_3] : memref<256x256xf32, #tpu.memory_space<vmem>>, vector<256x256xf32>
    %dot_general3A = arith.constant dense<0.000000e+00> : vector<2000x256xf32>
    %dot_general3A_5 = tpu.matmul %get3A_1, %get3A_4, %dot_general3A {dimension_numbers = #tpu.dot_dimension_numbers<[1], [0], [0], [1], [0, 0, 1, 1], [], []>, transpose_lhs_hint = false} : vector<2000x256xf32>, vector<256x256xf32>, vector<2000x256xf32> -> vector<2000x256xf32>
    %get3A_6 = arith.constant 0 : index
    %get3A_7 = arith.constant 0 : index
    %get3A_8 = vector.load %arg5[%get3A_6, %get3A_7] : memref<1x256xf32, #tpu.memory_space<vmem>>, vector<1x256xf32>
    %add3A = vector.broadcast %get3A_8 : vector<1x256xf32> to vector<2000x256xf32>
    %add3A_9 = arith.addf %dot_general3A_5, %add3A : vector<2000x256xf32>
    %get3A_10 = arith.constant 0 : index
    %get3A_11 = arith.constant 0 : index
    %get3A_12 = vector.load %arg2[%get3A_10, %get3A_11] : memref<256x256xf32, #tpu.memory_space<vmem>>, vector<256x256xf32>
    %dot_general3A_13 = arith.constant dense<0.000000e+00> : vector<2000x256xf32>
    %dot_general3A_14 = tpu.matmul %get3A_1, %get3A_12, %dot_general3A_13 {dimension_numbers = #tpu.dot_dimension_numbers<[1], [0], [0], [1], [0, 0, 1, 1], [], []>, transpose_lhs_hint = false} : vector<2000x256xf32>, vector<256x256xf32>, vector<2000x256xf32> -> vector<2000x256xf32>
    %get3A_15 = arith.constant 0 : index
    %get3A_16 = arith.constant 0 : index
    %get3A_17 = vector.load %arg3[%get3A_15, %get3A_16] : memref<256x256xf32, #tpu.memory_space<vmem>>, vector<256x256xf32>
    %dot_general3A_18 = arith.constant dense<0.000000e+00> : vector<2000x256xf32>
    %dot_general3A_19 = tpu.matmul %get3A_1, %get3A_17, %dot_general3A_18 {dimension_numbers = #tpu.dot_dimension_numbers<[1], [0], [0], [1], [0, 0, 1, 1], [], []>, transpose_lhs_hint = false} : vector<2000x256xf32>, vector<256x256xf32>, vector<2000x256xf32> -> vector<2000x256xf32>
    %convert_element_type3A = arith.truncf %dot_general3A_14 : vector<2000x256xf32> to vector<2000x256xbf16>
    %convert_element_type3A_20 = arith.extf %convert_element_type3A : vector<2000x256xbf16> to vector<2000x256xf32>
    %bitcast_convert_type3A = tpu.bitcast %convert_element_type3A_20 : vector<2000x256xf32> -> vector<2000x256xi32>
    %convert_element_type3A_21 = arith.truncf %add3A_9 : vector<2000x256xf32> to vector<2000x256xbf16>
    %convert_element_type3A_22 = arith.extf %convert_element_type3A_21 : vector<2000x256xbf16> to vector<2000x256xf32>
    %bitcast_convert_type3A_23 = tpu.bitcast %convert_element_type3A_22 : vector<2000x256xf32> -> vector<2000x256xi32>
    %shift_right_arithmetic3A = arith.constant 16 : i32
    %shift_right_arithmetic3A_24 = vector.broadcast %shift_right_arithmetic3A : i32 to vector<2000x256xi32>
    %shift_right_arithmetic3A_25 = arith.shrsi %bitcast_convert_type3A, %shift_right_arithmetic3A_24 : vector<2000x256xi32>
    %and3A = arith.constant 65535 : i32
    %and3A_26 = vector.broadcast %and3A : i32 to vector<2000x256xi32>
    %and3A_27 = arith.andi %shift_right_arithmetic3A_25, %and3A_26 : vector<2000x256xi32>
    %and3A_28 = arith.constant -65536 : i32
    %and3A_29 = vector.broadcast %and3A_28 : i32 to vector<2000x256xi32>
    %and3A_30 = arith.andi %bitcast_convert_type3A_23, %and3A_29 : vector<2000x256xi32>
    %or3A = arith.ori %and3A_27, %and3A_30 : vector<2000x256xi32>
    %swap3A = arith.constant 0 : index
    %swap3A_31 = arith.constant 0 : index
    %swap3A_32 = vector.load %arg7[%swap3A, %swap3A_31] : memref<2000x256xi32, #tpu.memory_space<vmem>>, vector<2000x256xi32>
    tpu.vector_store %arg7[%swap3A, %swap3A_31], %or3A {strides = array<i32>} : memref<2000x256xi32, #tpu.memory_space<vmem>>, vector<2000x256xi32>,
    %convert_element_type3A_33 = arith.truncf %dot_general3A_19 : vector<2000x256xf32> to vector<2000x256xbf16>
    %convert_element_type3A_34 = arith.extf %convert_element_type3A_33 : vector<2000x256xbf16> to vector<2000x256xf32>
    %bitcast_convert_type3A_35 = tpu.bitcast %convert_element_type3A_34 : vector<2000x256xf32> -> vector<2000x256xi32>
    %convert_element_type3A_36 = arith.truncf %add3A_9 : vector<2000x256xf32> to vector<2000x256xbf16>
    %convert_element_type3A_37 = arith.extf %convert_element_type3A_36 : vector<2000x256xbf16> to vector<2000x256xf32>
    %bitcast_convert_type3A_38 = tpu.bitcast %convert_element_type3A_37 : vector<2000x256xf32> -> vector<2000x256xi32>
    %shift_right_arithmetic3A_39 = arith.constant 16 : i32
    %shift_right_arithmetic3A_40 = vector.broadcast %shift_right_arithmetic3A_39 : i32 to vector<2000x256xi32>
    %shift_right_arithmetic3A_41 = arith.shrsi %bitcast_convert_type3A_35, %shift_right_arithmetic3A_40 : vector<2000x256xi32>
    %and3A_42 = arith.constant 65535 : i32
    %and3A_43 = vector.broadcast %and3A_42 : i32 to vector<2000x256xi32>
    %and3A_44 = arith.andi %shift_right_arithmetic3A_41, %and3A_43 : vector<2000x256xi32>
    %and3A_45 = arith.constant -65536 : i32
    %and3A_46 = vector.broadcast %and3A_45 : i32 to vector<2000x256xi32>
    %and3A_47 = arith.andi %bitcast_convert_type3A_38, %and3A_46 : vector<2000x256xi32>
    %or3A_48 = arith.ori %and3A_44, %and3A_47 : vector<2000x256xi32>
    %swap3A_49 = arith.constant 0 : index
    %swap3A_50 = arith.constant 0 : index
    %swap3A_51 = vector.load %arg8[%swap3A_49, %swap3A_50] : memref<2000x256xi32, #tpu.memory_space<vmem>>, vector<2000x256xi32>
    tpu.vector_store %arg8[%swap3A_49, %swap3A_50], %or3A_48 {strides = array<i32>} : memref<2000x256xi32, #tpu.memory_space<vmem>>, vector<2000x256xi32>,
    %get3A_52 = arith.constant 0 : index
    %get3A_53 = arith.constant 0 : index
    %get3A_54 = vector.load %arg6[%get3A_52, %get3A_53] : memref<256x2xf32, #tpu.memory_space<vmem>>, vector<256x2xf32>
    %dot_general3A_55 = arith.constant dense<0.000000e+00> : vector<2000x2xf32>
    %dot_general3A_56 = tpu.matmul %get3A_1, %get3A_54, %dot_general3A_55 {dimension_numbers = #tpu.dot_dimension_numbers<[1], [0], [0], [1], [0, 0, 1, 1], [], []>, transpose_lhs_hint = false} : vector<2000x256xf32>, vector<256x2xf32>, vector<2000x2xf32> -> vector<2000x2xf32>
    %swap3A_57 = arith.constant 0 : index
    %swap3A_58 = arith.constant 0 : index
    %swap3A_59 = vector.load %arg9[%swap3A_57, %swap3A_58] : memref<2000x2xf32, #tpu.memory_space<vmem>>, vector<2000x2xf32>
    tpu.vector_store %arg9[%swap3A_57, %swap3A_58], %dot_general3A_56 {strides = array<i32>} : memref<2000x2xf32, #tpu.memory_space<vmem>>, vector<2000x2xf32>,
    return
  }
  func.func @transform_0(%arg0: i32) -> (i32, i32) {
    %c0_i32 = arith.constant 0 : i32
    %c0_i32_0 = arith.constant 0 : i32
    return %arg0, %c0_i32 : i32, i32
  }
  func.func @transform_1(%arg0: i32) -> (i32, i32) {
    %c0_i32 = arith.constant 0 : i32
    %c0_i32_0 = arith.constant 0 : i32
    %c0_i32_1 = arith.constant 0 : i32
    return %c0_i32, %c0_i32_0 : i32, i32
  }
  func.func @transform_2(%arg0: i32) -> (i32, i32) {
    %c0_i32 = arith.constant 0 : i32
    %c0_i32_0 = arith.constant 0 : i32
    %c0_i32_1 = arith.constant 0 : i32
    return %c0_i32, %c0_i32_0 : i32, i32
  }
  func.func @transform_3(%arg0: i32) -> (i32, i32) {
    %c0_i32 = arith.constant 0 : i32
    %c0_i32_0 = arith.constant 0 : i32
    %c0_i32_1 = arith.constant 0 : i32
    return %c0_i32, %c0_i32_0 : i32, i32
  }
  func.func @transform_4(%arg0: i32) -> (i32, i32) {
    %c0_i32 = arith.constant 0 : i32
    %c0_i32_0 = arith.constant 0 : i32
    %c0_i32_1 = arith.constant 0 : i32
    return %c0_i32, %c0_i32_0 : i32, i32
  }
  func.func @transform_5(%arg0: i32) -> (i32, i32) {
    %c0_i32 = arith.constant 0 : i32
    %c0_i32_0 = arith.constant 0 : i32
    %c0_i32_1 = arith.constant 0 : i32
    return %c0_i32, %c0_i32_0 : i32, i32
  }
  func.func @transform_6(%arg0: i32) -> (i32, i32) {
    %c0_i32 = arith.constant 0 : i32
    %c0_i32_0 = arith.constant 0 : i32
    return %arg0, %c0_i32 : i32, i32
  }
  func.func @transform_7(%arg0: i32) -> (i32, i32) {
    %c0_i32 = arith.constant 0 : i32
    %c0_i32_0 = arith.constant 0 : i32
    return %arg0, %c0_i32 : i32, i32
  }
  func.func @transform_8(%arg0: i32) -> (i32, i32) {
    %c0_i32 = arith.constant 0 : i32
    %c0_i32_0 = arith.constant 0 : i32
    return %arg0, %c0_i32 : i32, i32
  }
}

module attributes {stable_mosaic.version = 14 : i64} {
  func.func @body(%arg0: i32, %arg1: memref<2000x256xf32, #tpu.memory_space<vmem>>, %arg2: memref<2000x256xi32, #tpu.memory_space<vmem>>, %arg3: memref<2000x1xf32, #tpu.memory_space<vmem>>, %arg4: memref<256x256xf32, #tpu.memory_space<vmem>>, %arg5: memref<256x1xf32, #tpu.memory_space<vmem>>, %arg6: memref<1x256xf32, #tpu.memory_space<vmem>>, %arg7: memref<1x1xf32, #tpu.memory_space<vmem>>, %arg8: memref<256x256xf32, #tpu.memory_space<vmem>>, %arg9: memref<1x256xf32, #tpu.memory_space<vmem>>, %arg10: memref<2000x256xbf16, #tpu.memory_space<vmem>>, %arg11: memref<1x1x256xf32, #tpu.memory_space<vmem>>, %arg12: memref<1x256xf32, #tpu.memory_space<vmem>>, %arg13: memref<1x256xf32, #tpu.memory_space<vmem>>) attributes {dimension_semantics = [#tpu.dimension_semantics<arbitrary>], iteration_bounds = array<i64: 80>, scalar_prefetch = 0 : i64, scratch_operands = 0 : i64, tpu.core_type = #tpu.core_type<tc>, window_params = [{transform_indices = @transform_0, window_bounds = array<i64: 2000, 256>}, {transform_indices = @transform_1, window_bounds = array<i64: 2000, 256>}, {transform_indices = @transform_2, window_bounds = array<i64: 2000, 1>}, {pipeline_mode = #tpu.pipeline_mode<synchronous>, transform_indices = @transform_3, window_bounds = array<i64: 256, 256>}, {pipeline_mode = #tpu.pipeline_mode<synchronous>, transform_indices = @transform_4, window_bounds = array<i64: 256, 1>}, {pipeline_mode = #tpu.pipeline_mode<synchronous>, transform_indices = @transform_5, window_bounds = array<i64: 1, 256>}, {pipeline_mode = #tpu.pipeline_mode<synchronous>, transform_indices = @transform_6, window_bounds = array<i64: 1, 1>}, {pipeline_mode = #tpu.pipeline_mode<synchronous>, transform_indices = @transform_7, window_bounds = array<i64: 256, 256>}, {pipeline_mode = #tpu.pipeline_mode<synchronous>, transform_indices = @transform_8, window_bounds = array<i64: 1, 256>}, {transform_indices = @transform_9, window_bounds = array<i64: 2000, 256>}, {transform_indices = @transform_10, window_bounds = array<i64: 1, 1, 256>}, {pipeline_mode = #tpu.pipeline_mode<synchronous>, transform_indices = @transform_11, window_bounds = array<i64: 1, 256>}, {pipeline_mode = #tpu.pipeline_mode<synchronous>, transform_indices = @transform_12, window_bounds = array<i64: 1, 256>}]} {
    %get3A = arith.constant 0 : index
    %get3A_0 = arith.constant 0 : index
    %get3A_1 = vector.load %arg1[%get3A, %get3A_0] : memref<2000x256xf32, #tpu.memory_space<vmem>>, vector<2000x256xf32>
    %get3A_2 = arith.constant 0 : index
    %get3A_3 = arith.constant 0 : index
    %get3A_4 = vector.load %arg2[%get3A_2, %get3A_3] : memref<2000x256xi32, #tpu.memory_space<vmem>>, vector<2000x256xi32>
    %shift_left3A = arith.constant 16 : i32
    %shift_left3A_5 = vector.broadcast %shift_left3A : i32 to vector<2000x256xi32>
    %shift_left3A_6 = arith.shli %get3A_4, %shift_left3A_5 : vector<2000x256xi32>
    %bitcast_convert_type3A = tpu.bitcast %shift_left3A_6 : vector<2000x256xi32> -> vector<2000x256xf32>
    %and3A = arith.constant -65536 : i32
    %and3A_7 = vector.broadcast %and3A : i32 to vector<2000x256xi32>
    %and3A_8 = arith.andi %get3A_4, %and3A_7 : vector<2000x256xi32>
    %bitcast_convert_type3A_9 = tpu.bitcast %and3A_8 : vector<2000x256xi32> -> vector<2000x256xf32>
    %convert_element_type3A = arith.truncf %get3A_1 : vector<2000x256xf32> to vector<2000x256xbf16>
    %get3A_10 = arith.constant 0 : index
    %get3A_11 = arith.constant 0 : index
    %get3A_12 = vector.load %arg4[%get3A_10, %get3A_11] : memref<256x256xf32, #tpu.memory_space<vmem>>, vector<256x256xf32>
    %convert_element_type3A_13 = arith.truncf %get3A_12 : vector<256x256xf32> to vector<256x256xbf16>
    %dot_general3A = arith.constant dense<0.000000e+00> : vector<2000x256xf32>
    %dot_general3A_14 = tpu.matmul %convert_element_type3A, %convert_element_type3A_13, %dot_general3A {dimension_numbers = #tpu.dot_dimension_numbers<[1], [0], [0], [1], [0, 0, 1, 1], [], []>, transpose_lhs_hint = false} : vector<2000x256xbf16>, vector<256x256xbf16>, vector<2000x256xf32> -> vector<2000x256xf32>
    %get3A_15 = arith.constant 0 : index
    %get3A_16 = arith.constant 0 : index
    %get3A_17 = vector.load %arg6[%get3A_15, %get3A_16] : memref<1x256xf32, #tpu.memory_space<vmem>>, vector<1x256xf32>
    %add3A = vector.broadcast %get3A_17 : vector<1x256xf32> to vector<2000x256xf32>
    %add3A_18 = arith.addf %dot_general3A_14, %add3A : vector<2000x256xf32>
    %get3A_19 = arith.constant 0 : index
    %get3A_20 = arith.constant 0 : index
    %get3A_21 = vector.load %arg5[%get3A_19, %get3A_20] : memref<256x1xf32, #tpu.memory_space<vmem>>, vector<256x1xf32>
    %dot_general3A_22 = arith.constant dense<0.000000e+00> : vector<2000x1xf32>
    %dot_general3A_23 = tpu.matmul %get3A_1, %get3A_21, %dot_general3A_22 {dimension_numbers = #tpu.dot_dimension_numbers<[1], [0], [0], [1], [0, 0, 1, 1], [], []>, transpose_lhs_hint = false} : vector<2000x256xf32>, vector<256x1xf32>, vector<2000x1xf32> -> vector<2000x1xf32>
    %get3A_24 = arith.constant 0 : index
    %get3A_25 = arith.constant 0 : index
    %get3A_26 = vector.load %arg7[%get3A_24, %get3A_25] : memref<1x1xf32, #tpu.memory_space<vmem>>, vector<1x1xf32>
    %add3A_27 = vector.broadcast %get3A_26 : vector<1x1xf32> to vector<2000x1xf32>
    %add3A_28 = arith.addf %dot_general3A_23, %add3A_27 : vector<2000x1xf32>
    %get3A_29 = arith.constant 0 : index
    %get3A_30 = arith.constant 0 : index
    %get3A_31 = vector.load %arg3[%get3A_29, %get3A_30] : memref<2000x1xf32, #tpu.memory_space<vmem>>, vector<2000x1xf32>
    %add3A_32 = arith.addf %add3A_28, %get3A_31 : vector<2000x1xf32>
    %ge3A = arith.constant 0.000000e+00 : f32
    %ge3A_33 = vector.broadcast %ge3A : f32 to vector<2000x1xf32>
    %ge3A_34 = arith.cmpf oge, %add3A_32, %ge3A_33 : vector<2000x1xf32>
    %mul3A = arith.constant 2.000000e-01 : f32
    %mul3A_35 = vector.broadcast %mul3A : f32 to vector<2000x1xf32>
    %mul3A_36 = arith.mulf %mul3A_35, %add3A_32 : vector<2000x1xf32>
    %select_n3A = arith.select %ge3A_34, %add3A_32, %mul3A_36 : vector<2000x1xi1>, vector<2000x1xf32>
    %logistic3A = arith.negf %select_n3A : vector<2000x1xf32>
    %logistic3A_37 = math.exp %logistic3A : vector<2000x1xf32>
    %logistic3A_38 = arith.constant 1.000000e+00 : f32
    %logistic3A_39 = vector.broadcast %logistic3A_38 : f32 to vector<2000x1xf32>
    %logistic3A_40 = arith.addf %logistic3A_39, %logistic3A_37 : vector<2000x1xf32>
    %logistic3A_41 = arith.divf %logistic3A_39, %logistic3A_40 : vector<2000x1xf32>
    %add3A_42 = arith.addf %bitcast_convert_type3A, %add3A_18 : vector<2000x256xf32>
    %mul3A_43 = vector.broadcast %logistic3A_41 : vector<2000x1xf32> to vector<2000x256xf32>
    %mul3A_44 = arith.mulf %add3A_42, %mul3A_43 : vector<2000x256xf32>
    %convert_element_type3A_45 = arith.truncf %mul3A_44 : vector<2000x256xf32> to vector<2000x256xbf16>
    %get3A_46 = arith.constant 0 : index
    %get3A_47 = arith.constant 0 : index
    %get3A_48 = vector.load %arg8[%get3A_46, %get3A_47] : memref<256x256xf32, #tpu.memory_space<vmem>>, vector<256x256xf32>
    %convert_element_type3A_49 = arith.truncf %get3A_48 : vector<256x256xf32> to vector<256x256xbf16>
    %dot_general3A_50 = arith.constant dense<0.000000e+00> : vector<2000x256xf32>
    %dot_general3A_51 = tpu.matmul %convert_element_type3A_45, %convert_element_type3A_49, %dot_general3A_50 {dimension_numbers = #tpu.dot_dimension_numbers<[1], [0], [0], [1], [0, 0, 1, 1], [], []>, transpose_lhs_hint = false} : vector<2000x256xbf16>, vector<256x256xbf16>, vector<2000x256xf32> -> vector<2000x256xf32>
    %get3A_52 = arith.constant 0 : index
    %get3A_53 = arith.constant 0 : index
    %get3A_54 = vector.load %arg9[%get3A_52, %get3A_53] : memref<1x256xf32, #tpu.memory_space<vmem>>, vector<1x256xf32>
    %add3A_55 = vector.broadcast %get3A_54 : vector<1x256xf32> to vector<2000x256xf32>
    %add3A_56 = arith.addf %dot_general3A_51, %add3A_55 : vector<2000x256xf32>
    %add3A_57 = arith.addf %add3A_56, %bitcast_convert_type3A_9 : vector<2000x256xf32>
    %ge3A_58 = arith.constant 0.000000e+00 : f32
    %ge3A_59 = vector.broadcast %ge3A_58 : f32 to vector<2000x256xf32>
    %ge3A_60 = arith.cmpf oge, %add3A_57, %ge3A_59 : vector<2000x256xf32>
    %mul3A_61 = arith.constant 2.000000e-01 : f32
    %mul3A_62 = vector.broadcast %mul3A_61 : f32 to vector<2000x256xf32>
    %mul3A_63 = arith.mulf %mul3A_62, %add3A_57 : vector<2000x256xf32>
    %select_n3A_64 = arith.select %ge3A_60, %add3A_57, %mul3A_63 : vector<2000x256xi1>, vector<2000x256xf32>
    %eq3A = arith.constant 0 : i32
    %eq3A_65 = arith.cmpi eq, %arg0, %eq3A : i32
    %convert_element_type3A_66 = arith.extui %eq3A_65 : i1 to i32
    %cond3A = arith.constant 0 : i32
    %cond3A_67 = arith.cmpi ne, %convert_element_type3A_66, %cond3A : i32
    scf.if %cond3A_67 {
      %broadcast_in_dim3A_96 = arith.constant 0xFF800000 : f32
      %broadcast_in_dim3A_97 = vector.broadcast %broadcast_in_dim3A_96 : f32 to vector<1x256xf32>
      %swap3A_98 = arith.constant 0 : index
      %swap3A_99 = arith.constant 0 : index
      %swap3A_100 = vector.load %arg12[%swap3A_98, %swap3A_99] : memref<1x256xf32, #tpu.memory_space<vmem>>, vector<1x256xf32>
      tpu.vector_store %arg12[%swap3A_98, %swap3A_99], %broadcast_in_dim3A_97 {strides = array<i32>} : memref<1x256xf32, #tpu.memory_space<vmem>>, vector<1x256xf32>,
      %broadcast_in_dim3A_101 = arith.constant 0.000000e+00 : f32
      %broadcast_in_dim3A_102 = vector.broadcast %broadcast_in_dim3A_101 : f32 to vector<1x256xf32>
      %swap3A_103 = arith.constant 0 : index
      %swap3A_104 = arith.constant 0 : index
      %swap3A_105 = vector.load %arg13[%swap3A_103, %swap3A_104] : memref<1x256xf32, #tpu.memory_space<vmem>>, vector<1x256xf32>
      tpu.vector_store %arg13[%swap3A_103, %swap3A_104], %broadcast_in_dim3A_102 {strides = array<i32>} : memref<1x256xf32, #tpu.memory_space<vmem>>, vector<1x256xf32>,
    } else {
    }
    %get3A_68 = arith.constant 0 : index
    %get3A_69 = arith.constant 0 : index
    %get3A_70 = vector.load %arg12[%get3A_68, %get3A_69] : memref<1x256xf32, #tpu.memory_space<vmem>>, vector<1x256xf32>
    %reduce_max3A = arith.constant dense<0xFF800000> : vector<256xf32>
    %reduce_max3A_71 = vector.multi_reduction <maximumf>, %select_n3A_64, %reduce_max3A [0] : vector<2000x256xf32> to vector<256xf32>
    %broadcast_in_dim3A = vector.shape_cast %reduce_max3A_71 : vector<256xf32> to vector<1x256xf32>
    %max3A = arith.maximumf %get3A_70, %broadcast_in_dim3A : vector<1x256xf32>
    %sub3A = vector.broadcast %max3A : vector<1x256xf32> to vector<2000x256xf32>
    %sub3A_72 = arith.subf %select_n3A_64, %sub3A : vector<2000x256xf32>
    %exp3A = math.exp %sub3A_72 : vector<2000x256xf32>
    %get3A_73 = arith.constant 0 : index
    %get3A_74 = arith.constant 0 : index
    %get3A_75 = vector.load %arg13[%get3A_73, %get3A_74] : memref<1x256xf32, #tpu.memory_space<vmem>>, vector<1x256xf32>
    %sub3A_76 = arith.subf %get3A_70, %max3A : vector<1x256xf32>
    %exp3A_77 = math.exp %sub3A_76 : vector<1x256xf32>
    %mul3A_78 = arith.mulf %get3A_75, %exp3A_77 : vector<1x256xf32>
    %reduce_sum3A = arith.constant dense<0.000000e+00> : vector<256xf32>
    %reduce_sum3A_79 = vector.multi_reduction <add>, %exp3A, %reduce_sum3A [0] : vector<2000x256xf32> to vector<256xf32>
    %broadcast_in_dim3A_80 = vector.shape_cast %reduce_sum3A_79 : vector<256xf32> to vector<1x256xf32>
    %add3A_81 = arith.addf %mul3A_78, %broadcast_in_dim3A_80 : vector<1x256xf32>
    %swap3A = arith.constant 0 : index
    %swap3A_82 = arith.constant 0 : index
    %swap3A_83 = vector.load %arg12[%swap3A, %swap3A_82] : memref<1x256xf32, #tpu.memory_space<vmem>>, vector<1x256xf32>
    tpu.vector_store %arg12[%swap3A, %swap3A_82], %max3A {strides = array<i32>} : memref<1x256xf32, #tpu.memory_space<vmem>>, vector<1x256xf32>,
    %swap3A_84 = arith.constant 0 : index
    %swap3A_85 = arith.constant 0 : index
    %swap3A_86 = vector.load %arg13[%swap3A_84, %swap3A_85] : memref<1x256xf32, #tpu.memory_space<vmem>>, vector<1x256xf32>
    tpu.vector_store %arg13[%swap3A_84, %swap3A_85], %add3A_81 {strides = array<i32>} : memref<1x256xf32, #tpu.memory_space<vmem>>, vector<1x256xf32>,
    %mul3A_87 = arith.mulf %mul3A_44, %exp3A : vector<2000x256xf32>
    %convert_element_type3A_88 = arith.truncf %mul3A_87 : vector<2000x256xf32> to vector<2000x256xbf16>
    %swap3A_89 = arith.constant 0 : index
    %swap3A_90 = arith.constant 0 : index
    %swap3A_91 = vector.load %arg10[%swap3A_89, %swap3A_90] : memref<2000x256xbf16, #tpu.memory_space<vmem>>, vector<2000x256xbf16>
    tpu.vector_store %arg10[%swap3A_89, %swap3A_90], %convert_element_type3A_88 {strides = array<i32>} : memref<2000x256xbf16, #tpu.memory_space<vmem>>, vector<2000x256xbf16>,
    %reshape3A = vector.shape_cast %max3A : vector<1x256xf32> to vector<1x1x256xf32>
    %swap3A_92 = arith.constant 0 : index
    %swap3A_93 = arith.constant 0 : index
    %swap3A_94 = arith.constant 0 : index
    %swap3A_95 = vector.load %arg11[%swap3A_92, %swap3A_93, %swap3A_94] : memref<1x1x256xf32, #tpu.memory_space<vmem>>, vector<1x1x256xf32>
    tpu.vector_store %arg11[%swap3A_92, %swap3A_93, %swap3A_94], %reshape3A {strides = array<i32>} : memref<1x1x256xf32, #tpu.memory_space<vmem>>, vector<1x1x256xf32>,
    return
  }
  func.func @transform_0(%arg0: i32) -> (i32, i32) {
    %add3A = arith.constant 0 : i32
    %add3A_0 = arith.addi %arg0, %add3A : i32
    %c0_i32 = arith.constant 0 : i32
    %c0_i32_1 = arith.constant 0 : i32
    return %add3A_0, %c0_i32 : i32, i32
  }
  func.func @transform_1(%arg0: i32) -> (i32, i32) {
    %c0_i32 = arith.constant 0 : i32
    %c0_i32_0 = arith.constant 0 : i32
    return %arg0, %c0_i32 : i32, i32
  }
  func.func @transform_2(%arg0: i32) -> (i32, i32) {
    %c0_i32 = arith.constant 0 : i32
    %c0_i32_0 = arith.constant 0 : i32
    return %arg0, %c0_i32 : i32, i32
  }
  func.func @transform_3(%arg0: i32) -> (i32, i32) {
    %c0_i32 = arith.constant 0 : i32
    %c0_i32_0 = arith.constant 0 : i32
    %c0_i32_1 = arith.constant 0 : i32
    return %c0_i32, %c0_i32_0 : i32, i32
  }
  func.func @transform_4(%arg0: i32) -> (i32, i32) {
    %c0_i32 = arith.constant 0 : i32
    %c0_i32_0 = arith.constant 0 : i32
    %c0_i32_1 = arith.constant 0 : i32
    return %c0_i32, %c0_i32_0 : i32, i32
  }
  func.func @transform_5(%arg0: i32) -> (i32, i32) {
    %c0_i32 = arith.constant 0 : i32
    %c0_i32_0 = arith.constant 0 : i32
    %c0_i32_1 = arith.constant 0 : i32
    return %c0_i32, %c0_i32_0 : i32, i32
  }
  func.func @transform_6(%arg0: i32) -> (i32, i32) {
    %c0_i32 = arith.constant 0 : i32
    %c0_i32_0 = arith.constant 0 : i32
    %c0_i32_1 = arith.constant 0 : i32
    return %c0_i32, %c0_i32_0 : i32, i32
  }
  func.func @transform_7(%arg0: i32) -> (i32, i32) {
    %c0_i32 = arith.constant 0 : i32
    %c0_i32_0 = arith.constant 0 : i32
    %c0_i32_1 = arith.constant 0 : i32
    return %c0_i32, %c0_i32_0 : i32, i32
  }
  func.func @transform_8(%arg0: i32) -> (i32, i32) {
    %c0_i32 = arith.constant 0 : i32
    %c0_i32_0 = arith.constant 0 : i32
    %c0_i32_1 = arith.constant 0 : i32
    return %c0_i32, %c0_i32_0 : i32, i32
  }
  func.func @transform_9(%arg0: i32) -> (i32, i32) {
    %add3A = arith.constant 0 : i32
    %add3A_0 = arith.addi %arg0, %add3A : i32
    %c0_i32 = arith.constant 0 : i32
    %c0_i32_1 = arith.constant 0 : i32
    return %add3A_0, %c0_i32 : i32, i32
  }
  func.func @transform_10(%arg0: i32) -> (i32, i32, i32) {
    %add3A = arith.constant 0 : i32
    %add3A_0 = arith.addi %arg0, %add3A : i32
    %c0_i32 = arith.constant 0 : i32
    %c0_i32_1 = arith.constant 0 : i32
    %c0_i32_2 = arith.constant 0 : i32
    return %add3A_0, %c0_i32, %c0_i32_1 : i32, i32, i32
  }
  func.func @transform_11(%arg0: i32) -> (i32, i32) {
    %c0_i32 = arith.constant 0 : i32
    %c0_i32_0 = arith.constant 0 : i32
    %c0_i32_1 = arith.constant 0 : i32
    return %c0_i32, %c0_i32_0 : i32, i32
  }
  func.func @transform_12(%arg0: i32) -> (i32, i32) {
    %c0_i32 = arith.constant 0 : i32
    %c0_i32_0 = arith.constant 0 : i32
    %c0_i32_1 = arith.constant 0 : i32
    return %c0_i32, %c0_i32_0 : i32, i32
  }
}

module attributes {stable_mosaic.version = 14 : i64} {
  func.func @_edge2_body(%arg0: i32, %arg1: memref<2000x256xbf16, #tpu.memory_space<vmem>>, %arg2: memref<1x1x256xf32, #tpu.memory_space<vmem>>, %arg3: memref<1x256xf32, #tpu.memory_space<vmem>>, %arg4: memref<1x256xf32, #tpu.memory_space<vmem>>, %arg5: memref<2000x256xf32, #tpu.memory_space<vmem>>) attributes {dimension_semantics = [#tpu.dimension_semantics<arbitrary>], iteration_bounds = array<i64: 80>, scalar_prefetch = 0 : i64, scratch_operands = 0 : i64, tpu.core_type = #tpu.core_type<tc>, window_params = [{transform_indices = @transform_0, window_bounds = array<i64: 2000, 256>}, {transform_indices = @transform_1, window_bounds = array<i64: 1, 1, 256>}, {pipeline_mode = #tpu.pipeline_mode<synchronous>, transform_indices = @transform_2, window_bounds = array<i64: 1, 256>}, {pipeline_mode = #tpu.pipeline_mode<synchronous>, transform_indices = @transform_3, window_bounds = array<i64: 1, 256>}, {transform_indices = @transform_4, window_bounds = array<i64: 2000, 256>}]} {
    %get3A = arith.constant 0 : index
    %get3A_0 = arith.constant 0 : index
    %get3A_1 = arith.constant 0 : index
    %get3A_2 = vector.load %arg2[%get3A, %get3A_0, %get3A_1] : memref<1x1x256xf32, #tpu.memory_space<vmem>>, vector<1x1x256xf32>
    %get3A_3 = vector.shape_cast %get3A_2 : vector<1x1x256xf32> to vector<1x256xf32>
    %get3A_4 = arith.constant 0 : index
    %get3A_5 = arith.constant 0 : index
    %get3A_6 = vector.load %arg3[%get3A_4, %get3A_5] : memref<1x256xf32, #tpu.memory_space<vmem>>, vector<1x256xf32>
    %sub3A = arith.subf %get3A_3, %get3A_6 : vector<1x256xf32>
    %exp3A = math.exp %sub3A : vector<1x256xf32>
    %get3A_7 = arith.constant 0 : index
    %get3A_8 = arith.constant 0 : index
    %get3A_9 = vector.load %arg4[%get3A_7, %get3A_8] : memref<1x256xf32, #tpu.memory_space<vmem>>, vector<1x256xf32>
    %div3A = arith.divf %exp3A, %get3A_9 : vector<1x256xf32>
    %get3A_10 = arith.constant 0 : index
    %get3A_11 = arith.constant 0 : index
    %get3A_12 = vector.load %arg1[%get3A_10, %get3A_11] : memref<2000x256xbf16, #tpu.memory_space<vmem>>, vector<2000x256xbf16>
    %convert_element_type3A = arith.extf %get3A_12 : vector<2000x256xbf16> to vector<2000x256xf32>
    %mul3A = vector.broadcast %div3A : vector<1x256xf32> to vector<2000x256xf32>
    %mul3A_13 = arith.mulf %convert_element_type3A, %mul3A : vector<2000x256xf32>
    %swap3A = arith.constant 0 : index
    %swap3A_14 = arith.constant 0 : index
    %swap3A_15 = vector.load %arg5[%swap3A, %swap3A_14] : memref<2000x256xf32, #tpu.memory_space<vmem>>, vector<2000x256xf32>
    tpu.vector_store %arg5[%swap3A, %swap3A_14], %mul3A_13 {strides = array<i32>} : memref<2000x256xf32, #tpu.memory_space<vmem>>, vector<2000x256xf32>,
    return
  }
  func.func @transform_0(%arg0: i32) -> (i32, i32) {
    %c0_i32 = arith.constant 0 : i32
    %c0_i32_0 = arith.constant 0 : i32
    return %arg0, %c0_i32 : i32, i32
  }
  func.func @transform_1(%arg0: i32) -> (i32, i32, i32) {
    %c0_i32 = arith.constant 0 : i32
    %c0_i32_0 = arith.constant 0 : i32
    %c0_i32_1 = arith.constant 0 : i32
    return %arg0, %c0_i32, %c0_i32_0 : i32, i32, i32
  }
  func.func @transform_2(%arg0: i32) -> (i32, i32) {
    %c0_i32 = arith.constant 0 : i32
    %c0_i32_0 = arith.constant 0 : i32
    %c0_i32_1 = arith.constant 0 : i32
    return %c0_i32, %c0_i32_0 : i32, i32
  }
  func.func @transform_3(%arg0: i32) -> (i32, i32) {
    %c0_i32 = arith.constant 0 : i32
    %c0_i32_0 = arith.constant 0 : i32
    %c0_i32_1 = arith.constant 0 : i32
    return %c0_i32, %c0_i32_0 : i32, i32
  }
  func.func @transform_4(%arg0: i32) -> (i32, i32) {
    %c0_i32 = arith.constant 0 : i32
    %c0_i32_0 = arith.constant 0 : i32
    return %arg0, %c0_i32 : i32, i32
  }
}

</mosaic_0001>

<sc_bundles>
// kernel: kernel.6.cloned.1.call-start
scs
__scs_entry_jumppad:
0x0: {  	(pc) =	sbr.rel $0x88, $3  }
0x1: {  	(tag) =	ssettag $0x0;
	lr =	simm.s32 $0x1  }
0x2: {  	[smem:$0x3F96] =	sst lr;
	_ =	strace $0xD0000000  }
0x3: {  	_ = 	snop  }
0x4: {  	_ = 	snop  }
0x5: {  	_ = 	snop  }
0x6: {  	_ = 	snop  }
0x7: {  	_ = 	snop  }
__scs_overlays_trampoline_lowered:
0x8: {  	[smem:$0x3FA5] =	sst s0  }
0x9: {  	[smem:$0x3FA6] =	sst s1  }
0xa: {  	[smem:$0x3FA7] =	sst s2  }
0xb: {  	[smem:$0x3FA8] =	sst s3  }
0xc: {  	[smem:$0x3FA9] =	sst s4  }
0xd: {  	[smem:$0x3FAA] =	sst s5  }
0xe: {  	[smem:$0x3FAB] =	sst s6  }
0xf: {  	[smem:$0x3FAC] =	sst s7  }
0x10: {  	[smem:$0x3FAD] =	sst s8  }
0x11: {  	[smem:$0x3FAE] =	sst s9;
	s0 =	simm.s32 @!p0 $0x0  }
0x12: {  	s1 =	sld [smem:$0x3F94];
	s0 =	simm.s32 @p0 $0x1  }
0x13: {  	[smem:$0x3FAF] =	sst s0;
	s0 =	simm.s32 @!p1 $0x0  }
0x14: {  	s2 =	sld [smem:$0x3F93];
	s0 =	simm.s32 @p1 $0x1  }
0x15: {  	[smem:$0x3FB0] =	sst s0;
	s0 =	simm.s32 @!p2 $0x0  }
0x16: {  	s3 =	sld [smem:$0x3FDB];
	s0 =	simm.s32 @p2 $0x1  }
0x17: {  	s4 =	simm.s32 $0x1BF5;
	[smem:$0x3FB2] =	sst s0  }
0x18: {  	s0 =	sld [smem:$0x3F95];
	_ =	swait.ge [sflag:s4], $0x0  }
0x19: {  	s7 =	sld [smem:$0x3F96]  }
0x1a: {  	s8 =	sadd.s32 $0xFFFFE003, lr  }
0x1b: {  	s9 =	sadd.s32 $0xFFFFFEF7, lr;
	s5 =	simm.s32 $0xFFFFFFFF;
	p2 =	slt.u32 s8, $0xFFFFF086  }
0x1c: {  	p1 =	slt.u32 s9, $0xF7A;
	s5 =	simm.s32 @!p2 $0x0  }
0x1d: {  	s5 =	simm.s32 @p1 $0x1;
	p0 =	seq.s32 s7, s2  }
0x1e: {  	s7 =	smul.u32 @!p0 $0xF7A, s2;
	p2 =	seq.s32 @!p0 s5, $0x0  }
0x1f: {  	s9 =	smul.u32 $0xF7A, s1;
	s8 =	simm.s32 @!p0 $0x1BF5;
	p2 =	por !p2, p0  }
0x20: {  	[sflag:s8] =	ssyncset.s32 @!p0 $0xFFFFF086;
	s6 =	sadd.s32 @!p0 s3, s7;
	s7 =	simm.s32 @!p0 $0x108  }
0x21: {  	s3 =	sadd.s32 s3, s9;
	s6 =	sadd.s32 @!p0 $0x88, s6;
	s7 =	simm.s32 @p2 $0x1082  }
0x22: {  	[simem:s7], [sflag:s8] =	dma.local @!p0 [hbm:s6], $0xF7A  }
0x23: {  	s9 =	sor.u32 $0xD0000000, s2;
	s6 =	simm.s32 $0x108;
	_ =	swait.ge @!p0 [sflag:s8], $0x0  }
0x24: {  	s3 =	sadd.s32 $0x88, s3;
	s6 =	simm.s32 @!p1 $0x1082;
	[sflag:s4] =	ssyncset.s32 $0xFFFFF086  }
0x25: {  	[simem:s6], [sflag:s4] =	dma.local [hbm:s3], $0xF7A  }
0x26: {  	[smem:$0x3F96] =	sst s1;
	(tag) =	ssettag s2;
	_ =	strace s9  }
0x27: {  	s1 =	sld [smem:$0x3FA6]  }
0x28: {  	s2 =	sld [smem:$0x3FA7]  }
0x29: {  	s4 =	sld [smem:$0x3FA9]  }
0x2a: {  	p0 =	seq.s32 s5, $0x0;
	s5 =	sld [smem:$0x3FAA]  }
0x2b: {  	s6 =	sld [smem:$0x3FAB]  }
0x2c: {  	s7 =	sld [smem:$0x3FAC]  }
0x2d: {  	s3 =	simm.s32 $0x108;
	s8 =	sld [smem:$0x3FAD]  }
0x2e: {  	s3 =	simm.s32 @!p0 $0x1082;
	s9 =	sld [smem:$0x3FAE]  }
0x2f: {  	lr =	sadd.s32 s0, s3;
	s0 =	sld [smem:$0x3FA5]  }
0x30: {  	s3 =	sld [smem:$0x3FA8]  }
0x31: {  	[smem:$0x3FB1] =	sst s10  }
0x32: {  	s10 =	sld [smem:$0x3FAF];
	_ =	sdelay $0x3  }
0x33: {  	p0 =	seq.s32 s10, $0x1;
	s10 =	sld [smem:$0x3FB1];
	_ =	sdelay $0x3  }
0x34: {  	[smem:$0x3FB1] =	sst s10  }
0x35: {  	s10 =	sld [smem:$0x3FB0];
	_ =	sdelay $0x3  }
0x36: {  	p1 =	seq.s32 s10, $0x1;
	s10 =	sld [smem:$0x3FB1];
	_ =	sdelay $0x3  }
0x37: {  	[smem:$0x3FB1] =	sst s10  }
0x38: {  	s10 =	sld [smem:$0x3FB2]  }
0x39: {  	_ = 	snop;
	(pc) =	sbr.ind lr, $3  }
0x3a: {  	_ = 	snop  }
0x3b: {  	_ = 	snop  }
0x3c: {  	p2 =	seq.s32 s10, $0x1;
	s10 =	sld [smem:$0x3FB1]  }
0x3d: {  	_ =	shalt  }
0x3e: {  	_ =	shalt  }
0x3f: {  	_ =	shalt  }
0x40: {  	_ =	shalt  }
0x41: {  	_ =	shalt  }
0x42: {  	_ =	shalt  }
0x43: {  	_ =	shalt  }
0x44: {  	_ =	shalt  }
0x45: {  	_ =	shalt  }
0x46: {  	_ =	shalt  }
0x47: {  	_ =	shalt  }
0x48: {  	_ =	shalt  }
0x49: {  	_ =	shalt  }
0x4a: {  	_ =	shalt  }
0x4b: {  	_ =	shalt  }
0x4c: {  	_ =	shalt  }
0x4d: {  	_ =	shalt  }
0x4e: {  	_ =	shalt  }
0x4f: {  	_ =	shalt  }
0x50: {  	_ =	shalt  }
0x51: {  	_ =	shalt  }
0x52: {  	_ =	shalt  }
0x53: {  	_ =	shalt  }
0x54: {  	_ =	shalt  }
0x55: {  	_ =	shalt  }
0x56: {  	_ =	shalt  }
0x57: {  	_ =	shalt  }
0x58: {  	_ =	shalt  }
0x59: {  	_ =	shalt  }
0x5a: {  	_ =	shalt  }
0x5b: {  	_ =	shalt  }
0x5c: {  	_ =	shalt  }
0x5d: {  	_ =	shalt  }
0x5e: {  	_ =	shalt  }
0x5f: {  	_ =	shalt  }
0x60: {  	_ =	shalt  }
0x61: {  	_ =	shalt  }
0x62: {  	_ =	shalt  }
0x63: {  	_ =	shalt  }
0x64: {  	_ =	shalt  }
0x65: {  	_ =	shalt  }
0x66: {  	_ =	shalt  }
0x67: {  	_ =	shalt  }
0x68: {  	_ =	shalt  }
0x69: {  	_ =	shalt  }
0x6a: {  	_ =	shalt  }
0x6b: {  	_ =	shalt  }
0x6c: {  	_ =	shalt  }
0x6d: {  	_ =	shalt  }
0x6e: {  	_ =	shalt  }
0x6f: {  	_ =	shalt  }
0x70: {  	_ =	shalt  }
0x71: {  	_ =	shalt  }
0x72: {  	_ =	shalt  }
0x73: {  	_ =	shalt  }
0x74: {  	_ =	shalt  }
0x75: {  	_ =	shalt  }
0x76: {  	_ =	shalt  }
0x77: {  	_ =	shalt  }
0x78: {  	_ =	shalt  }
0x79: {  	_ =	shalt  }
0x7a: {  	_ =	shalt  }
0x7b: {  	_ =	shalt  }
0x7c: {  	_ =	shalt  }
0x7d: {  	_ =	shalt  }
0x7e: {  	_ =	shalt  }
0x7f: {  	_ =	shalt  }
0x80: {  	_ =	shalt  }
0x81: {  	_ =	shalt  }
0x82: {  	_ =	shalt  }
0x83: {  	_ =	shalt  }
0x84: {  	_ =	shalt  }
0x85: {  	_ =	shalt  }
0x86: {  	_ =	shalt  }
0x87: {  	_ =	shalt  }
.Lfunc_end0:
.L_simem_size_0:
called_computation_lowered:
.L_overlay_start_0:
0x88: {  	s2 =	sld [smem:$0x3FD9]  }
0x89: {  	s3 =	sld [smem:$0x3FFE];
	_ =	sdelay $0x1  }
0x8a: {  	s1 =	srdreg.scid  }
0x8b: {  	s0 =	sand.u32 $0x1, s1  }
0x8c: {  	s17 =	sshll.u32 s0, $0xA;
	s2 =	sadd.s32 s3, s2  }
0x8d: {  	s2 =	sadd.s32 s2, s17  }
0x8e: {  	[smem:$0x3FBD] =	sst s2  }
0x8f: {  	_ = 	snop  }
0x90: {  	s2 =	sld [smem:$0x3FD0];
	(tm) =	ssettm $0x1  }
0x91: {  	s18 =	sld [smem:$0x3FFB];
	_ =	sdelay $0x3  }
0x92: {  	_ =	strace s18  }
0x93: {  	s3 =	sld [smem:$0x3FFC];
	_ =	sdelay $0x3  }
0x94: {  	_ =	strace s3  }
0x95: {  	s3 =	sld [smem:$0x3FFD];
	_ =	sdelay $0x3  }
0x96: {  	_ =	strace s3  }
0x97: {  	_ =	strace $0x8FFFFFFF  }
0x98: {  	s19 =	sld [smem:$0x3FDB];
	_ =	sdelay $0x1  }
0x99: {  	s4 =	simm.s32 $_scs_section_size  }
0x9a: {  	s5 =	simm.s32 $_size__tile_overlayer_lowered;
	s6 =	simm.s32 $_tile_overlayer_lowered  }
0x9b: {  	s22 =	simm.s32 $0x1BFF;
	s21 =	sshll.u32 s6, $0x1;
	s3 =	sadd.s32 s4, s19  }
0x9c: {  	s7 =	simm.s32 $0x0;
	s20 =	sshll.u32 s5, $0x1;
	s5 =	sadd.s32 s21, s3  }
0x9d: {  	[timem:s7], [sflag:s22] =	dma.local [hbm:s5], s20  }
0x9e: {  	_ =	swait.ge [sflag:s22], s20  }
0x9f: {  	s4 =	ssub.s32 $0x0, s20;
	[sflag:s22] =	ssyncset.done $0x0  }
0xa0: {  	[sflag:s22] =	ssyncadd.s32 s4;
	_ =	sdelay $0x1  }
0xa1: {  	s23 =	simm.s32 $0x1B8B  }
0xa2: {  	_ =	swait.ge [sflag:s23], $0x1  }
0xa3: {  	[sflag:s23] =	ssyncset.done $0x0  }
0xa4: {  	s25 =	simm.s32 $0x1B8E;
	s24 =	sld [smem:$0x3FFE];
	[sflag:s23] =	ssyncadd.s32 $0xFFFFFFFF  }
0xa5: {  	s26 =	simm.s32 $execute0_lowered;
	[smem:$0x3FD2] =	sst s25  }
0xa6: {  	s5 =	sshll.u32 s26, $0x1;
	_ =	strace $0x80000046;
	[dreg:$0x1] =	wrdreg $0xFFFFFFFF  }
0xa7: {  	s28 =	simm.s32 $_size_execute0_lowered;
	s3 =	sadd.s32 s3, s5;
	[dreg:$0x0] =	wrdreg $0x0  }
0xa8: {  	s5 =	sshll.u32 s28, $0x1;
	[dreg:$0x2] =	wrdreg s3  }
0xa9: {  	[dreg:$0x3] =	wrdreg s5  }
0xaa: {  	[dreg:$0x4] =	wrdreg $0xC0  }
0xab: {  	_ =	task [dreg:s7], $0x5FFFF  }
0xac: {  	[dreg:$0x1] =	wrdreg $0xFFFFFFFF  }
0xad: {  	[dreg:$0x0] =	wrdreg $0x60  }
0xae: {  	[dreg:$0x2] =	wrdreg s24  }
0xaf: {  	[dreg:$0x3] =	wrdreg s2  }
0xb0: {  	[dreg:$0x4] =	wrdreg $0x9  }
0xb1: {  	_ =	task.clear_ibuf [dreg:s7], $0x5FFFF;
	_ =	strace $0x90000046  }
0xb2: {  	s29 =	simm.s32 $0x9;
	_ =	strace $0x80000048  }
0xb3: {  	_ =	swait.ge [sflag:s29], $0x1  }
0xb4: {  	[sflag:s29] =	ssyncadd.s32 $0xFFFFFFFF  }
0xb5: {  	_ =	strace $0x90000048  }
0xb6: {  	_ =	sfence  }
0xb7: {  	s30 =	sld [smem:$0x0];
	_ =	sdelay $0x2  }
0xb8: {  	s31 =	sshll.u32 s1, $0xD;
	s1 =	sshrl.u32 s1, $0x2  }
0xb9: {  	s3 =	sand.u32 $0x4000, s31;
	s1 =	sadd.s32 s1, s30  }
0xba: {  	s0 =	sor.u32 s3, s0;
	s1 =	sshll.u32 s1, $0x11  }
0xbb: {  	s0 =	sor.u32 s1, s0  }
0xbc: {  	s0 =	sadd.s32 $0x8F2B, s0  }
0xbd: {  	[sflag:s0] =	ssyncadd.remote.s32 $0x1  }
0xbe: {  	_ =	sfence.sel $0xFFFF  }
0xbf: {  	[dreg:$0x0] =	wrdreg $0xFFFFFFFF;
	(pc) =	sbr.abs _section_cstart, $3  }
0xc0: {  	[dreg:$0x1] =	wrdreg $0xFFFFFFFF  }
0xc1: {  	_ =	task.clear_ibuf [dreg:s7], $0x2FFFF;
	_ =	strace $0x9FFFFFFF  }
0xc2: {  	(tm) =	ssettm $0x7FFFFFFF  }
0xc3: {  	_ =	shalt  }
tec
execute0_lowered:
.L_overlay_start_1:
0x0: {  	(tag) =	ssettag $0x1  }
0x1: {  	s0 =	srdreg.scid;
	s2 =	stileid.u32  }
0x2: {  	s1 =	rddreg [dreg:$0x0];
	s10 =	simm.s32 $0x85;
	s16 =	simm.s32 $0xA900  }
0x3: {  	s18 =	simm.s32 $0xD080;
	s19 =	simm.s32 $0x2800;
	s20 =	simm.s32 $0x3000  }
0x4: {  	s21 =	simm.s32 $0x3800;
	s22 =	simm.s32 $0x4000;
	s23 =	simm.s32 $0x4800  }
0x5: {  	s24 =	simm.s32 $0x5000;
	s25 =	simm.s32 $0x5800;
	s28 =	simm.s32 $0x6800  }
0x6: {  	s12 =	simm.s32 $0xA800;
	s13 =	simm.s32 $0x2;
	s14 =	simm.s32 $0xA880  }
0x7: {  	s15 =	simm.s32 $0x0;
	s0 =	sand.u32 $0x1, s0;
	s3 =	sshll.u32 s2, $0x1  }
0x8: {  	s2 =	rddreg [dreg:$0x1];
	s5 =	sadd.s32 $0x58C00, s1;
	s6 =	sadd.s32 $0xAA00, s1  }
0x9: {  	s9 =	sadd.s32 $0xA7400, s1;
	s7 =	sor.u32 s0, s3;
	s3 =	simm.s32 $0x0  }
0xa: {  	s26 =	sadd.s32 $0xA6E00, s1;
	s31 =	sadd.s32 $0xA60C, s1;
	[smem:$0x7FF] =	sst s3  }
0xb: {  	s0 =	ssub.s32 $0x2, s0;
	_ =	strace $0x80000047;
	[dreg:$0x3] =	wrdreg s9  }
0xc: {  	s4 =	smul.u32 $0x13A0, s7;
	s11 =	sshrl.u32 s0, $0x1;
	[dreg:$0x4] =	wrdreg s26  }
0xd: {  	s9 =	sadd.s32 $0xA7A00, s1;
	s0 =	ssub.s32 s0, s11;
	[dreg:$0x7] =	wrdreg s31  }
.Ltmp0:
0xe: {  	s8 =	sshrl.u32 s4, $0x3;
	s0 =	smax.u32 s0, $0x1;
	(pc) =	sbr.rel .LBB2_1-.Ltmp0, $4  }
0xf: {  	s8 =	sadd.s32 s8, s1;
	s1 =	sadd.s32 $0x560C, s1;
	[dreg:$0x9] =	wrdreg s0  }
0x10: {  	v2 =	vlaneseq.u32;
	p0 =	seq.s32 s7, $0x1F;
	s29 =	sadd.s32 $0x5A00, s8;
	[dreg:$0x8] =	wrdreg s1  }
0x11: {  	vm0 =	vmmov $0xffff;
	v1 =	vshrl.u32 v2, $0x3;
	s10 =	simm.s32 @!p0 $0x9D;
	s30 =	sadd.s32 $0xA00, s8;
	[dreg:$0x5] =	wrdreg s29  }
0x12: {  	v0 =	vand.u32 $0x7, v2;
	v2 =	vor.u32 $0x8, v2;
	v1 =	vmul.u32 $0x8, v1;
	s26 =	simm.s32 $0x6000;
	s11 =	simm.s32 $0x1;
	[dreg:$0x6] =	wrdreg s30  }
.LBB2_12:
0x13: {  	s0 =	simm.s32 $0x3  }
0x14: {  	_ =	swait.ge [sflag:s0], $0x2000  }
0x15: {  	[sflag:s0] =	ssyncset.done $0x0  }
0x16: {  	[sflag:s0] =	ssyncadd.s32 $0xFFFFE000  }
0x17: {  	_ =	swait.ge [sflag:s0], $0x20  }
0x18: {  	[sflag:s0] =	ssyncset.done $0x0  }
0x19: {  	s1 =	simm.s32 $0x4;
	[sflag:s0] =	ssyncadd.s32 $0xFFFFFFE0  }
0x1a: {  	_ =	swait.ge [sflag:s1], $0x2000  }
0x1b: {  	[sflag:s1] =	ssyncset.done $0x0  }
0x1c: {  	[sflag:s1] =	ssyncadd.s32 $0xFFFFE000  }
0x1d: {  	_ =	swait.ge [sflag:s1], $0x20  }
0x1e: {  	s15 =	sadd.s32 $0x1, s15;
	s31 =	rddreg [dreg:$0x9]  }
0x1f: {  	p1 =	sne.s32 s15, s31  }
.Ltmp1:
0x20: {  	_ = 	snop;
	(pc) =	sbr.rel @!p1 .LBB2_13-.Ltmp1, $3  }
0x21: {  	_ =	sdelay $0x1  }
0x22: {  	[sflag:s1] =	ssyncset.done $0x0  }
0x23: {  	[sflag:s1] =	ssyncadd.s32 $0xFFFFFFE0  }
.LBB2_1:
0x24: {  	s0 =	rddreg [dreg:$0x3];
	s1 =	simm.s32 $0x5  }
0x25: {  	[tilespmem:s16], [sflag:$0x5] =	stream.linear.gather [hbm4b:s0+s3], $0x2780, $0x38;
	[tilespmem:$0xF800] =	vst v63  }
0x26: {  	_ =	swait.ge [sflag:s1], $0x2780  }
0x27: {  	[sflag:s1] =	ssyncset.done $0x0  }
0x28: {  	s31 =	rddreg [dreg:$0x4];
	[sflag:s1] =	ssyncadd.s32 $0xFFFFD880  }
0x29: {  	[tilespmem:s18], [sflag:$0x5] =	stream.linear.gather [hbm4b:s31+s3], $0x2780, $0x38;
	[tilespmem:$0xF800] =	vst v63  }
0x2a: {  	_ =	swait.ge [sflag:s1], $0x2780  }
0x2b: {  	[sflag:s1] =	ssyncset.done $0x0  }
0x2c: {  	s0 =	simm.s32 @p0 $0x0;
	[sflag:s1] =	ssyncadd.s32 $0xFFFFD880;
	s1 =	rddreg [dreg:$0x7]  }
0x2d: {  	[tilespmem:s0], [sflag:$0x5] =	stream.linear.gather @p0 [hbm4b:s1+s0], $0x10A0, $0x38;
	[tilespmem:$0xF800] =	vst v63  }
0x2e: {  	s1 =	simm.s32 @p0 $0x5  }
0x2f: {  	_ =	swait.ge @p0 [sflag:s1], $0x10A0  }
0x30: {  	[sflag:s1] =	ssyncset.done @p0 $0x0  }
0x31: {  	s17 =	simm.s32 @p0 $0x1400;
	s7 =	rddreg [dreg:$0x8];
	[sflag:s1] =	ssyncadd.s32 @p0 $0xFFFFEF60  }
0x32: {  	[tilespmem:s17], [sflag:$0x5] =	stream.linear.gather @p0 [hbm4b:s7+s0], $0x10A0, $0x38;
	[tilespmem:$0xF800] =	vst v63  }
0x33: {  	_ =	swait.ge @p0 [sflag:s1], $0x10A0  }
0x34: {  	[sflag:s1] =	ssyncset.done @p0 $0x0  }
0x35: {  	s0 =	simm.s32 @!p0 $0x0;
	[sflag:s1] =	ssyncadd.s32 @p0 $0xFFFFEF60;
	s1 =	rddreg [dreg:$0x5]  }
0x36: {  	[tilespmem:s0], [sflag:$0x5] =	stream.linear.gather @!p0 [hbm4b:s1+s0], $0x13A0, $0x38;
	[tilespmem:$0xF800] =	vst v63  }
0x37: {  	s1 =	simm.s32 @!p0 $0x5  }
0x38: {  	_ =	swait.ge @!p0 [sflag:s1], $0x13A0  }
0x39: {  	s17 =	simm.s32 @!p0 $0x1400;
	[sflag:s1] =	ssyncset.done @!p0 $0x0  }
.Ltmp2:
0x3a: {  	s7 =	rddreg [dreg:$0x6];
	[sflag:s1] =	ssyncadd.s32 @!p0 $0xFFFFEC60;
	(pc) =	sbr.rel .LBB2_2-.Ltmp2, $4  }
0x3b: {  	[tilespmem:s17], [sflag:$0x5] =	stream.linear.gather @!p0 [hbm4b:s7+s0], $0x13A0, $0x38;
	[tilespmem:$0xF800] =	vst v63  }
0x3c: {  	_ =	swait.ge @!p0 [sflag:s1], $0x13A0  }
0x3d: {  	[sflag:s1] =	ssyncset.done @!p0 $0x0  }
0x3e: {  	s17 =	simm.s32 $0x0;
	[sflag:s1] =	ssyncadd.s32 @!p0 $0xFFFFEC60  }
.LBB2_11:
0x3f: {  	s17 =	sadd.s32 $0x1, s17  }
0x40: {  	p1 =	sne.s32 s17, $0x4F  }
.Ltmp3:
0x41: {  	_ = 	snop;
	(pc) =	sbr.rel @!p1 .LBB2_12-.Ltmp3, $1  }
0x42: {  	_ =	sdelay $0x3  }
.LBB2_2:
0x43: {  	s0 =	sshll.u32 s17, $0x1  }
0x44: {  	p1 =	sge.u32 s0, s10  }
.Ltmp4:
0x45: {  	_ = 	snop;
	(pc) =	sbr.rel @p1 .LBB2_11-.Ltmp4, $1  }
0x46: {  	_ =	sdelay $0x3  }
0x47: {  	p2 =	seq.s32 s17, $0x0  }
0x48: {  	s0 =	simm.s32 @!p2 $0x3  }
0x49: {  	_ =	swait.ge @!p2 [sflag:s0], $0x2000  }
0x4a: {  	[sflag:s0] =	ssyncset.done @!p2 $0x0  }
0x4b: {  	[sflag:s0] =	ssyncadd.s32 @!p2 $0xFFFFE000  }
0x4c: {  	_ =	swait.ge @!p2 [sflag:s0], $0x20  }
0x4d: {  	[sflag:s0] =	ssyncset.done @!p2 $0x0  }
0x4e: {  	s29 =	sshll.u32 s17, $0x6;
	[sflag:s0] =	ssyncadd.s32 @!p2 $0xFFFFFFE0  }
0x4f: {  	v3 =	vld [tilespmem:s29+$0x0];
	_ =	sdelay $0x4  }
0x50: {  	v4 =	vshll.u32 v3, $0x1  }
0x51: {  	v3 =	vand.u32 $0x7, v3;
	v4 =	vand.u32 $0xFFFFFFF0, v4  }
0x52: {  	v3 =	vor.u32 v3, v4  }
0x53: {  	v4 =	vperm.xlane v3, v0;
	_ =	sdelay $0x1  }
0x54: {  	v3 =	vperm.xlane v3, v2;
	v4 =	vadd.s32 v1, v4;
	_ =	sdelay $0x1  }
0x55: {  	v3 =	vadd.s32 v1, v3;
	_ =	sdelay $0x2  }
0x56: {  	[tilespmem:s19], [sflag:$0x1] =	stream.indirect_vreg.gather [hbm4b:s5+s3], $0x80, v4, vm0, $0xb8;
	[tilespmem:$0xF800] =	vst v63  }
0x57: {  	_ = 	snop  }
0x58: {  	[tilespmem:s20], [sflag:$0x1] =	stream.indirect_vreg.gather [hbm4b:s5+s3], $0x80, v3, vm0, $0xb8;
	[tilespmem:$0xF800] =	vst v63  }
0x59: {  	v3 =	vld [tilespmem:s29+$0x10];
	_ =	sdelay $0x4  }
0x5a: {  	v61 =	vshll.u32 v3, $0x1  }
0x5b: {  	v3 =	vand.u32 $0x7, v3;
	v4 =	vand.u32 $0xFFFFFFF0, v61  }
0x5c: {  	v3 =	vor.u32 v3, v4  }
0x5d: {  	v4 =	vperm.xlane v3, v0;
	_ =	sdelay $0x1  }
0x5e: {  	v3 =	vperm.xlane v3, v2;
	v4 =	vadd.s32 v1, v4;
	_ =	sdelay $0x1  }
0x5f: {  	v3 =	vadd.s32 v1, v3;
	_ =	sdelay $0x2  }
0x60: {  	[tilespmem:s21], [sflag:$0x1] =	stream.indirect_vreg.gather [hbm4b:s5+s3], $0x80, v4, vm0, $0xb8;
	[tilespmem:$0xF800] =	vst v63  }
0x61: {  	_ = 	snop  }
0x62: {  	[tilespmem:s22], [sflag:$0x1] =	stream.indirect_vreg.gather [hbm4b:s5+s3], $0x80, v3, vm0, $0xb8;
	[tilespmem:$0xF800] =	vst v63  }
0x63: {  	v3 =	vld [tilespmem:s29+$0x1400];
	_ =	sdelay $0x4  }
0x64: {  	v62 =	vshll.u32 v3, $0x1  }
0x65: {  	v3 =	vand.u32 $0x7, v3;
	v4 =	vand.u32 $0xFFFFFFF0, v62  }
0x66: {  	v3 =	vor.u32 v3, v4  }
0x67: {  	v4 =	vperm.xlane v3, v0;
	_ =	sdelay $0x1  }
0x68: {  	v3 =	vperm.xlane v3, v2;
	v4 =	vadd.s32 v1, v4;
	_ =	sdelay $0x1  }
0x69: {  	v3 =	vadd.s32 v1, v3;
	_ =	sdelay $0x2  }
0x6a: {  	[tilespmem:s23], [sflag:$0x1] =	stream.indirect_vreg.gather [hbm4b:s6+s3], $0x80, v4, vm0, $0xb8;
	[tilespmem:$0xF800] =	vst v63  }
0x6b: {  	_ = 	snop  }
0x6c: {  	[tilespmem:s24], [sflag:$0x1] =	stream.indirect_vreg.gather [hbm4b:s6+s3], $0x80, v3, vm0, $0xb8;
	[tilespmem:$0xF800] =	vst v63  }
0x6d: {  	v3 =	vld [tilespmem:s29+$0x1410];
	_ =	sdelay $0x4  }
0x6e: {  	v63 =	vshll.u32 v3, $0x1  }
0x6f: {  	v3 =	vand.u32 $0x7, v3;
	v4 =	vand.u32 $0xFFFFFFF0, v63  }
0x70: {  	v3 =	vor.u32 v3, v4  }
0x71: {  	v4 =	vperm.xlane v3, v0;
	_ =	sdelay $0x1  }
0x72: {  	v3 =	vperm.xlane v3, v2;
	v4 =	vadd.s32 v1, v4  }
0x73: {  	s30 =	sshllo.u32 s17, $0x1  }
0x74: {  	p1 =	sge.u32 s30, s10;
	v3 =	vadd.s32 v1, v3  }
.Ltmp5:
0x75: {  	_ = 	snop;
	(pc) =	sbr.rel @p1 .LBB2_5-.Ltmp5, $4  }
0x76: {  	_ = 	snop  }
0x77: {  	[tilespmem:s25], [sflag:$0x1] =	stream.indirect_vreg.gather [hbm4b:s6+s3], $0x80, v4, vm0, $0xb8;
	[tilespmem:$0xF800] =	vst v63  }
0x78: {  	_ = 	snop  }
0x79: {  	[tilespmem:s26], [sflag:$0x1] =	stream.indirect_vreg.gather [hbm4b:s6+s3], $0x80, v3, vm0, $0xb8;
	[tilespmem:$0xF800] =	vst v63  }
0x7a: {  	s0 =	simm.s32 @!p2 $0x4  }
0x7b: {  	_ =	swait.ge @!p2 [sflag:s0], $0x2000  }
0x7c: {  	[sflag:s0] =	ssyncset.done @!p2 $0x0  }
0x7d: {  	[sflag:s0] =	ssyncadd.s32 @!p2 $0xFFFFE000  }
0x7e: {  	_ =	swait.ge @!p2 [sflag:s0], $0x20  }
0x7f: {  	[sflag:s0] =	ssyncset.done @!p2 $0x0  }
0x80: {  	[sflag:s0] =	ssyncadd.s32 @!p2 $0xFFFFFFE0;
	s0 =	sshll.u32 s30, $0x5  }
0x81: {  	v3 =	vld [tilespmem:s0+$0x0];
	_ =	sdelay $0x4  }
0x82: {  	v4 =	vshll.u32 v3, $0x1  }
0x83: {  	v3 =	vand.u32 $0x7, v3;
	v4 =	vand.u32 $0xFFFFFFF0, v4  }
0x84: {  	v3 =	vor.u32 v3, v4  }
0x85: {  	v4 =	vperm.xlane v3, v0;
	_ =	sdelay $0x1  }
0x86: {  	v3 =	vperm.xlane v3, v2;
	v4 =	vadd.s32 v1, v4;
	_ =	sdelay $0x1  }
0x87: {  	v3 =	vadd.s32 v1, v3;
	_ =	sdelay $0x2  }
0x88: {  	[tilespmem:s28], [sflag:$0x2] =	stream.indirect_vreg.gather [hbm4b:s5+s3], $0x80, v4, vm0, $0xb8;
	[tilespmem:$0xF800] =	vst v63  }
0x89: {  	s1 =	simm.s32 $0x7000  }
0x8a: {  	[tilespmem:s1], [sflag:$0x2] =	stream.indirect_vreg.gather [hbm4b:s5+s3], $0x80, v3, vm0, $0xb8;
	[tilespmem:$0xF800] =	vst v63  }
0x8b: {  	v3 =	vld [tilespmem:s0+$0x10];
	_ =	sdelay $0x4  }
0x8c: {  	v61 =	vshll.u32 v3, $0x1  }
0x8d: {  	v3 =	vand.u32 $0x7, v3;
	v4 =	vand.u32 $0xFFFFFFF0, v61  }
0x8e: {  	v3 =	vor.u32 v3, v4  }
0x8f: {  	v4 =	vperm.xlane v3, v0;
	_ =	sdelay $0x1  }
0x90: {  	v3 =	vperm.xlane v3, v2;
	v4 =	vadd.s32 v1, v4;
	_ =	sdelay $0x1  }
0x91: {  	v3 =	vadd.s32 v1, v3;
	_ =	sdelay $0x1  }
0x92: {  	s7 =	simm.s32 $0x7800  }
0x93: {  	[tilespmem:s7], [sflag:$0x2] =	stream.indirect_vreg.gather [hbm4b:s5+s3], $0x80, v4, vm0, $0xb8;
	[tilespmem:$0xF800] =	vst v63  }
0x94: {  	s8 =	simm.s32 $0x8000  }
0x95: {  	[tilespmem:s8], [sflag:$0x2] =	stream.indirect_vreg.gather [hbm4b:s5+s3], $0x80, v3, vm0, $0xb8;
	[tilespmem:$0xF800] =	vst v63  }
0x96: {  	v3 =	vld [tilespmem:s0+$0x1400];
	_ =	sdelay $0x4  }
0x97: {  	v62 =	vshll.u32 v3, $0x1  }
0x98: {  	v3 =	vand.u32 $0x7, v3;
	v4 =	vand.u32 $0xFFFFFFF0, v62  }
0x99: {  	v3 =	vor.u32 v3, v4  }
0x9a: {  	v4 =	vperm.xlane v3, v0;
	_ =	sdelay $0x1  }
0x9b: {  	v3 =	vperm.xlane v3, v2;
	v4 =	vadd.s32 v1, v4;
	_ =	sdelay $0x1  }
0x9c: {  	v3 =	vadd.s32 v1, v3;
	_ =	sdelay $0x1  }
0x9d: {  	s31 =	simm.s32 $0x8800  }
0x9e: {  	[tilespmem:s31], [sflag:$0x2] =	stream.indirect_vreg.gather [hbm4b:s6+s3], $0x80, v4, vm0, $0xb8;
	[tilespmem:$0xF800] =	vst v63  }
0x9f: {  	s7 =	simm.s32 $0x9000  }
0xa0: {  	[tilespmem:s7], [sflag:$0x2] =	stream.indirect_vreg.gather [hbm4b:s6+s3], $0x80, v3, vm0, $0xb8;
	[tilespmem:$0xF800] =	vst v63  }
0xa1: {  	v3 =	vld [tilespmem:s0+$0x1410];
	_ =	sdelay $0x4  }
0xa2: {  	v63 =	vshll.u32 v3, $0x1  }
0xa3: {  	v3 =	vand.u32 $0x7, v3;
	v4 =	vand.u32 $0xFFFFFFF0, v63  }
0xa4: {  	v3 =	vor.u32 v3, v4  }
0xa5: {  	v4 =	vperm.xlane v3, v0;
	_ =	sdelay $0x1  }
0xa6: {  	v3 =	vperm.xlane v3, v2;
	v4 =	vadd.s32 v1, v4;
	_ =	sdelay $0x1  }
0xa7: {  	v3 =	vadd.s32 v1, v3;
	_ =	sdelay $0x1  }
0xa8: {  	s8 =	simm.s32 $0x9800  }
0xa9: {  	[tilespmem:s8], [sflag:$0x2] =	stream.indirect_vreg.gather [hbm4b:s6+s3], $0x80, v4, vm0, $0xb8;
	[tilespmem:$0xF800] =	vst v63  }
0xaa: {  	s31 =	simm.s32 $0xA000  }
0xab: {  	[tilespmem:s31], [sflag:$0x2] =	stream.indirect_vreg.gather [hbm4b:s6+s3], $0x80, v3, vm0, $0xb8;
	[tilespmem:$0xF800] =	vst v63  }
.LBB2_5:
0xac: {  	v3 =	vld [tilespmem:s29+$0x0]  }
0xad: {  	v4 =	vld [tilespmem:s29+$0x1400];
	_ =	sdelay $0x6  }
0xae: {  	v3 =	vld.idx.msk [tilespmem:v3+s16+$0x0], $0xffff  }
0xaf: {  	v4 =	vld.idx.msk [tilespmem:v4+s18+$0x0], $0xffff;
	_ =	sdelay $0x4  }
0xb0: {  	v3 =	vadd.f32 v4, v3;
	_ =	sdelay $0x1  }
0xb1: {  	s0 =	sor.u32 $0x10, s29;
	[tilespmem:$0xA800] =	vst v3  }
0xb2: {  	v3 =	vld [tilespmem:s0+$0x0]  }
0xb3: {  	v4 =	vld [tilespmem:s29+$0x1410];
	_ =	sdelay $0x6  }
0xb4: {  	v3 =	vld.idx.msk [tilespmem:v3+s16+$0x0], $0xffff  }
0xb5: {  	v4 =	vld.idx.msk [tilespmem:v4+s18+$0x0], $0xffff;
	_ =	sdelay $0x4  }
0xb6: {  	v3 =	vadd.f32 v4, v3;
	_ =	sdelay $0x1  }
0xb7: {  	[tilespmem:$0xA810] =	vst v3  }
0xb8: {  	_ =	swait.ge [sflag:s11], $0x2000  }
0xb9: {  	[sflag:s11] =	ssyncset.done $0x0  }
0xba: {  	[sflag:s11] =	ssyncadd.s32 $0xFFFFE000  }
0xbb: {  	s8 =	simm.s32 $0x0;
	_ =	swait.ge [sflag:s11], $0x2000  }
0xbc: {  	s1 =	sand.u32 $0x1800, s8;
	s0 =	sand.u32 $0x380, s8;
	[sflag:s11] =	ssyncset.done $0x0  }
0xbd: {  	s31 =	sor.u32 s0, s1;
	[sflag:s11] =	ssyncadd.s32 $0xFFFFE000  }
0xbe: {  	v10 =	vld [tilespmem:s31+$0x4800]  }
0xbf: {  	v11 =	vld [tilespmem:s31+$0x4810]  }
0xc0: {  	v12 =	vld [tilespmem:s31+$0x4820]  }
0xc1: {  	v13 =	vld [tilespmem:s31+$0x4830]  }
0xc2: {  	v14 =	vld [tilespmem:s31+$0x4840]  }
0xc3: {  	v15 =	vld [tilespmem:s31+$0x4850]  }
0xc4: {  	v16 =	vld [tilespmem:s31+$0x4860]  }
0xc5: {  	v17 =	vld [tilespmem:s31+$0x4870]  }
0xc6: {  	v18 =	vld [tilespmem:s31+$0x4C00]  }
0xc7: {  	v9 =	vld [tilespmem:s31+$0x4C10]  }
0xc8: {  	v8 =	vld [tilespmem:s31+$0x4C20]  }
0xc9: {  	v7 =	vld [tilespmem:s31+$0x4C30]  }
0xca: {  	v6 =	vld [tilespmem:s31+$0x4C40]  }
0xcb: {  	v5 =	vld [tilespmem:s31+$0x4C50]  }
0xcc: {  	v4 =	vld [tilespmem:s31+$0x4C60]  }
0xcd: {  	v3 =	vld [tilespmem:s31+$0x4C70]  }
0xce: {  	v19 =	vld [tilespmem:s31+$0x2800]  }
0xcf: {  	v20 =	vld [tilespmem:s31+$0x2810]  }
0xd0: {  	v21 =	vld [tilespmem:s31+$0x2820]  }
0xd1: {  	v22 =	vld [tilespmem:s31+$0x2830]  }
0xd2: {  	v23 =	vld [tilespmem:s31+$0x2840]  }
0xd3: {  	v10 =	vadd.bf16 v10, v19;
	v19 =	vld [tilespmem:s31+$0x2850]  }
0xd4: {  	v61 =	vld [tilespmem:s31+$0x2860];
	v11 =	vadd.bf16 v11, v20  }
0xd5: {  	v62 =	vld [tilespmem:s31+$0x2870];
	[tilespmem:s31+$0x2800] =	vst v10;
	v10 =	vadd.bf16 v12, v21  }
0xd6: {  	v63 =	vld [tilespmem:s31+$0x2C00];
	[tilespmem:s31+$0x2810] =	vst v11;
	v11 =	vadd.bf16 v13, v22  }
0xd7: {  	v13 =	vld [tilespmem:s31+$0x2C10];
	[tilespmem:s31+$0x2820] =	vst v10;
	v10 =	vadd.bf16 v14, v23  }
0xd8: {  	v12 =	vld [tilespmem:s31+$0x2C20];
	[tilespmem:s31+$0x2830] =	vst v11;
	v11 =	vadd.bf16 v15, v19  }
0xd9: {  	v14 =	vadd.bf16 v16, v61;
	[tilespmem:s31+$0x2840] =	vst v10;
	v10 =	vld [tilespmem:s31+$0x2C30]  }
0xda: {  	v16 =	vadd.bf16 v17, v62;
	[tilespmem:s31+$0x2850] =	vst v11;
	v11 =	vld [tilespmem:s31+$0x2C40]  }
0xdb: {  	s1 =	simm.s32 $0x80;
	s0 =	simm.s32 $0x100;
	v15 =	vadd.bf16 v18, v63;
	[tilespmem:s31+$0x2860] =	vst v14;
	v14 =	vld [tilespmem:s31+$0x2C50]  }
.LBB2_6:
0xdc: {  	s7 =	sand.u32 $0x1800, s0;
	s8 =	sand.u32 $0x380, s1;
	p2 =	sne.s32 s0, $0x1F00;
	[tilespmem:s31+$0x2870] =	vst v16;
	v9 =	vadd.bf16 v9, v13;
	v13 =	vld [tilespmem:s31+$0x2C60]  }
0xdd: {  	s7 =	sor.u32 s8, s7;
	[tilespmem:s31+$0x2C00] =	vst v15;
	v8 =	vadd.bf16 v8, v12;
	v12 =	vld [tilespmem:s31+$0x2C70]  }
0xde: {  	v15 =	vld [tilespmem:s7+$0x4800];
	[tilespmem:s31+$0x2C10] =	vst v9;
	v7 =	vadd.bf16 v7, v10  }
0xdf: {  	v10 =	vld [tilespmem:s7+$0x4810];
	[tilespmem:s31+$0x2C20] =	vst v8;
	v6 =	vadd.bf16 v6, v11  }
0xe0: {  	v11 =	vld [tilespmem:s7+$0x4820];
	[tilespmem:s31+$0x2C30] =	vst v7;
	v5 =	vadd.bf16 v5, v14  }
0xe1: {  	v14 =	vld [tilespmem:s7+$0x4830];
	[tilespmem:s31+$0x2C40] =	vst v6;
	v4 =	vadd.bf16 v4, v13  }
0xe2: {  	v13 =	vld [tilespmem:s7+$0x4840];
	[tilespmem:s31+$0x2C50] =	vst v5;
	v3 =	vadd.bf16 v3, v12  }
0xe3: {  	v12 =	vld [tilespmem:s7+$0x4850];
	[tilespmem:s31+$0x2C60] =	vst v4  }
0xe4: {  	v16 =	vld [tilespmem:s7+$0x4860];
	[tilespmem:s31+$0x2C70] =	vst v3;
	s31 =	smov.u32 s7  }
0xe5: {  	v17 =	vld [tilespmem:s31+$0x4870]  }
0xe6: {  	v18 =	vld [tilespmem:s31+$0x4C00]  }
0xe7: {  	v9 =	vld [tilespmem:s31+$0x4C10]  }
0xe8: {  	v8 =	vld [tilespmem:s31+$0x4C20]  }
0xe9: {  	v7 =	vld [tilespmem:s31+$0x4C30]  }
0xea: {  	v6 =	vld [tilespmem:s31+$0x4C40]  }
0xeb: {  	v5 =	vld [tilespmem:s31+$0x4C50]  }
0xec: {  	v4 =	vld [tilespmem:s31+$0x4C60]  }
0xed: {  	v3 =	vld [tilespmem:s31+$0x4C70]  }
0xee: {  	v19 =	vld [tilespmem:s31+$0x2800]  }
0xef: {  	v20 =	vld [tilespmem:s31+$0x2810]  }
0xf0: {  	v21 =	vld [tilespmem:s31+$0x2820]  }
0xf1: {  	v22 =	vld [tilespmem:s31+$0x2830]  }
0xf2: {  	v23 =	vld [tilespmem:s31+$0x2840]  }
0xf3: {  	v15 =	vadd.bf16 v15, v19;
	v19 =	vld [tilespmem:s31+$0x2850]  }
0xf4: {  	v10 =	vadd.bf16 v10, v20;
	v20 =	vld [tilespmem:s31+$0x2860]  }
0xf5: {  	[tilespmem:s31+$0x2800] =	vst v15;
	v11 =	vadd.bf16 v11, v21;
	v15 =	vld [tilespmem:s31+$0x2870]  }
0xf6: {  	[tilespmem:s31+$0x2810] =	vst v10;
	v10 =	vadd.bf16 v14, v22;
	v14 =	vld [tilespmem:s31+$0x2C00]  }
.Ltmp6:
0xf7: {  	[tilespmem:s31+$0x2820] =	vst v11;
	v11 =	vadd.bf16 v13, v23;
	v13 =	vld [tilespmem:s31+$0x2C10];
	(pc) =	sbr.rel @p2 .LBB2_6-.Ltmp6, $4  }
0xf8: {  	[tilespmem:s31+$0x2830] =	vst v10;
	v19 =	vadd.bf16 v12, v19;
	v12 =	vld [tilespmem:s31+$0x2C20]  }
0xf9: {  	[tilespmem:s31+$0x2840] =	vst v11;
	v20 =	vadd.bf16 v16, v20;
	v10 =	vld [tilespmem:s31+$0x2C30]  }
0xfa: {  	[tilespmem:s31+$0x2850] =	vst v19;
	v16 =	vadd.bf16 v17, v15;
	v11 =	vld [tilespmem:s31+$0x2C40]  }
0xfb: {  	s1 =	sadd.s32 $0x80, s1;
	s0 =	sadd.s32 $0x100, s0;
	[tilespmem:s31+$0x2860] =	vst v20;
	v15 =	vadd.bf16 v18, v14;
	v14 =	vld [tilespmem:s31+$0x2C50]  }
0xfc: {  	[tilespmem:s31+$0x2870] =	vst v16;
	v9 =	vadd.bf16 v9, v13;
	v62 =	vld [tilespmem:s31+$0x2C60]  }
0xfd: {  	v63 =	vld [tilespmem:s31+$0x2C70];
	[tilespmem:s31+$0x2C00] =	vst v15;
	v8 =	vadd.bf16 v8, v12  }
0xfe: {  	[tilespmem:s31+$0x2C10] =	vst v9;
	v7 =	vadd.bf16 v7, v10  }
0xff: {  	[tilespmem:s31+$0x2C20] =	vst v8;
	v6 =	vadd.bf16 v6, v11  }
0x100: {  	[tilespmem:s31+$0x2C30] =	vst v7;
	v5 =	vadd.bf16 v5, v14  }
0x101: {  	[tilespmem:s31+$0x2C40] =	vst v6;
	v4 =	vadd.bf16 v4, v62  }
0x102: {  	s0 =	sadd.s32 s4, s29;
	v3 =	vadd.bf16 v3, v63;
	[tilespmem:s31+$0x2C50] =	vst v5  }
.Ltmp7:
0x103: {  	s1 =	sshll.u32 s0, $0x5;
	[tilespmem:s31+$0x2C60] =	vst v4;
	(pc) =	sbr.rel @p1 .LBB2_11-.Ltmp7, $4  }
0x104: {  	s0 =	sshrl.u32 s0, $0x3;
	s1 =	sadd.s32 s2, s1;
	[tilespmem:s31+$0x2C70] =	vst v3  }
0x105: {  	[hbm4b:s1+s3] =	stream.linear.scatter [tilespmem:s19], [sflag:$0x3], $0x2000, $0x38;
	[tilespmem:$0xF800] =	vst v63  }
0x106: {  	s0 =	sadd.s32 s9, s0  }
0x107: {  	[hbm4b:s0+s3] =	stream.linear.scatter [tilespmem:s12], [sflag:$0x3], $0x20, $0x38;
	[tilespmem:$0xF800] =	vst v63  }
0x108: {  	s29 =	sshll.u32 s30, $0x5  }
0x109: {  	v3 =	vld [tilespmem:s29+$0x0]  }
0x10a: {  	v4 =	vld [tilespmem:s29+$0x1400];
	_ =	sdelay $0x6  }
0x10b: {  	v3 =	vld.idx.msk [tilespmem:v3+s16+$0x0], $0xffff  }
0x10c: {  	v4 =	vld.idx.msk [tilespmem:v4+s18+$0x0], $0xffff;
	_ =	sdelay $0x4  }
0x10d: {  	v3 =	vadd.f32 v4, v3;
	_ =	sdelay $0x1  }
0x10e: {  	[tilespmem:$0xA880] =	vst v3  }
0x10f: {  	v3 =	vld [tilespmem:s29+$0x10]  }
0x110: {  	v4 =	vld [tilespmem:s29+$0x1410];
	_ =	sdelay $0x6  }
0x111: {  	v3 =	vld.idx.msk [tilespmem:v3+s16+$0x0], $0xffff  }
0x112: {  	v4 =	vld.idx.msk [tilespmem:v4+s18+$0x0], $0xffff;
	_ =	sdelay $0x4  }
0x113: {  	v3 =	vadd.f32 v4, v3;
	_ =	sdelay $0x1  }
0x114: {  	[tilespmem:$0xA890] =	vst v3  }
0x115: {  	_ =	swait.ge [sflag:s13], $0x2000  }
0x116: {  	[sflag:s13] =	ssyncset.done $0x0  }
0x117: {  	[sflag:s13] =	ssyncadd.s32 $0xFFFFE000  }
0x118: {  	s0 =	simm.s32 $0x0;
	_ =	swait.ge [sflag:s13], $0x2000  }
0x119: {  	s1 =	sand.u32 $0x1800, s0;
	s0 =	sand.u32 $0x380, s0;
	[sflag:s13] =	ssyncset.done $0x0  }
0x11a: {  	s30 =	sor.u32 s0, s1;
	[sflag:s13] =	ssyncadd.s32 $0xFFFFE000  }
0x11b: {  	v10 =	vld [tilespmem:s30+$0x8800]  }
0x11c: {  	v11 =	vld [tilespmem:s30+$0x8810]  }
0x11d: {  	v12 =	vld [tilespmem:s30+$0x8820]  }
0x11e: {  	v13 =	vld [tilespmem:s30+$0x8830]  }
0x11f: {  	v14 =	vld [tilespmem:s30+$0x8840]  }
0x120: {  	v15 =	vld [tilespmem:s30+$0x8850]  }
0x121: {  	v16 =	vld [tilespmem:s30+$0x8860]  }
0x122: {  	v17 =	vld [tilespmem:s30+$0x8870]  }
0x123: {  	v18 =	vld [tilespmem:s30+$0x8C00]  }
0x124: {  	v9 =	vld [tilespmem:s30+$0x8C10]  }
0x125: {  	v8 =	vld [tilespmem:s30+$0x8C20]  }
0x126: {  	v7 =	vld [tilespmem:s30+$0x8C30]  }
0x127: {  	v6 =	vld [tilespmem:s30+$0x8C40]  }
0x128: {  	v5 =	vld [tilespmem:s30+$0x8C50]  }
0x129: {  	v4 =	vld [tilespmem:s30+$0x8C60]  }
0x12a: {  	v3 =	vld [tilespmem:s30+$0x8C70]  }
0x12b: {  	v19 =	vld [tilespmem:s30+$0x6800]  }
0x12c: {  	v20 =	vld [tilespmem:s30+$0x6810]  }
0x12d: {  	v21 =	vld [tilespmem:s30+$0x6820]  }
0x12e: {  	v22 =	vld [tilespmem:s30+$0x6830]  }
0x12f: {  	v23 =	vld [tilespmem:s30+$0x6840]  }
0x130: {  	v10 =	vadd.bf16 v10, v19;
	v19 =	vld [tilespmem:s30+$0x6850]  }
0x131: {  	v61 =	vld [tilespmem:s30+$0x6860];
	v11 =	vadd.bf16 v11, v20  }
0x132: {  	v62 =	vld [tilespmem:s30+$0x6870];
	[tilespmem:s30+$0x6800] =	vst v10;
	v10 =	vadd.bf16 v12, v21  }
0x133: {  	v63 =	vld [tilespmem:s30+$0x6C00];
	[tilespmem:s30+$0x6810] =	vst v11;
	v11 =	vadd.bf16 v13, v22  }
0x134: {  	v13 =	vld [tilespmem:s30+$0x6C10];
	[tilespmem:s30+$0x6820] =	vst v10;
	v10 =	vadd.bf16 v14, v23  }
0x135: {  	v12 =	vld [tilespmem:s30+$0x6C20];
	[tilespmem:s30+$0x6830] =	vst v11;
	v11 =	vadd.bf16 v15, v19  }
0x136: {  	v14 =	vadd.bf16 v16, v61;
	[tilespmem:s30+$0x6840] =	vst v10;
	v10 =	vld [tilespmem:s30+$0x6C30]  }
0x137: {  	v16 =	vadd.bf16 v17, v62;
	[tilespmem:s30+$0x6850] =	vst v11;
	v11 =	vld [tilespmem:s30+$0x6C40]  }
0x138: {  	s1 =	simm.s32 $0x80;
	s0 =	simm.s32 $0x100;
	v15 =	vadd.bf16 v18, v63;
	[tilespmem:s30+$0x6860] =	vst v14;
	v14 =	vld [tilespmem:s30+$0x6C50]  }
.LBB2_9:
0x139: {  	s7 =	sand.u32 $0x1800, s0;
	s8 =	sand.u32 $0x380, s1;
	p1 =	sne.s32 s0, $0x1F00;
	[tilespmem:s30+$0x6870] =	vst v16;
	v9 =	vadd.bf16 v9, v13;
	v13 =	vld [tilespmem:s30+$0x6C60]  }
0x13a: {  	s7 =	sor.u32 s8, s7;
	[tilespmem:s30+$0x6C00] =	vst v15;
	v8 =	vadd.bf16 v8, v12;
	v12 =	vld [tilespmem:s30+$0x6C70]  }
0x13b: {  	v15 =	vld [tilespmem:s7+$0x8800];
	[tilespmem:s30+$0x6C10] =	vst v9;
	v7 =	vadd.bf16 v7, v10  }
0x13c: {  	v10 =	vld [tilespmem:s7+$0x8810];
	[tilespmem:s30+$0x6C20] =	vst v8;
	v6 =	vadd.bf16 v6, v11  }
0x13d: {  	v11 =	vld [tilespmem:s7+$0x8820];
	[tilespmem:s30+$0x6C30] =	vst v7;
	v5 =	vadd.bf16 v5, v14  }
0x13e: {  	v14 =	vld [tilespmem:s7+$0x8830];
	[tilespmem:s30+$0x6C40] =	vst v6;
	v4 =	vadd.bf16 v4, v13  }
0x13f: {  	v13 =	vld [tilespmem:s7+$0x8840];
	[tilespmem:s30+$0x6C50] =	vst v5;
	v3 =	vadd.bf16 v3, v12  }
0x140: {  	v12 =	vld [tilespmem:s7+$0x8850];
	[tilespmem:s30+$0x6C60] =	vst v4  }
0x141: {  	v16 =	vld [tilespmem:s7+$0x8860];
	[tilespmem:s30+$0x6C70] =	vst v3;
	s30 =	smov.u32 s7  }
0x142: {  	v17 =	vld [tilespmem:s30+$0x8870]  }
0x143: {  	v18 =	vld [tilespmem:s30+$0x8C00]  }
0x144: {  	v9 =	vld [tilespmem:s30+$0x8C10]  }
0x145: {  	v8 =	vld [tilespmem:s30+$0x8C20]  }
0x146: {  	v7 =	vld [tilespmem:s30+$0x8C30]  }
0x147: {  	v6 =	vld [tilespmem:s30+$0x8C40]  }
0x148: {  	v5 =	vld [tilespmem:s30+$0x8C50]  }
0x149: {  	v4 =	vld [tilespmem:s30+$0x8C60]  }
0x14a: {  	v3 =	vld [tilespmem:s30+$0x8C70]  }
0x14b: {  	v19 =	vld [tilespmem:s30+$0x6800]  }
0x14c: {  	v20 =	vld [tilespmem:s30+$0x6810]  }
0x14d: {  	v21 =	vld [tilespmem:s30+$0x6820]  }
0x14e: {  	v22 =	vld [tilespmem:s30+$0x6830]  }
0x14f: {  	v23 =	vld [tilespmem:s30+$0x6840]  }
0x150: {  	v15 =	vadd.bf16 v15, v19;
	v19 =	vld [tilespmem:s30+$0x6850]  }
0x151: {  	v10 =	vadd.bf16 v10, v20;
	v20 =	vld [tilespmem:s30+$0x6860]  }
0x152: {  	[tilespmem:s30+$0x6800] =	vst v15;
	v11 =	vadd.bf16 v11, v21;
	v15 =	vld [tilespmem:s30+$0x6870]  }
0x153: {  	[tilespmem:s30+$0x6810] =	vst v10;
	v10 =	vadd.bf16 v14, v22;
	v14 =	vld [tilespmem:s30+$0x6C00]  }
.Ltmp8:
0x154: {  	[tilespmem:s30+$0x6820] =	vst v11;
	v11 =	vadd.bf16 v13, v23;
	v13 =	vld [tilespmem:s30+$0x6C10];
	(pc) =	sbr.rel @p1 .LBB2_9-.Ltmp8, $4  }
0x155: {  	[tilespmem:s30+$0x6830] =	vst v10;
	v19 =	vadd.bf16 v12, v19;
	v12 =	vld [tilespmem:s30+$0x6C20]  }
0x156: {  	[tilespmem:s30+$0x6840] =	vst v11;
	v20 =	vadd.bf16 v16, v20;
	v10 =	vld [tilespmem:s30+$0x6C30]  }
0x157: {  	[tilespmem:s30+$0x6850] =	vst v19;
	v16 =	vadd.bf16 v17, v15;
	v11 =	vld [tilespmem:s30+$0x6C40]  }
0x158: {  	s1 =	sadd.s32 $0x80, s1;
	s0 =	sadd.s32 $0x100, s0;
	[tilespmem:s30+$0x6860] =	vst v20;
	v15 =	vadd.bf16 v18, v14;
	v14 =	vld [tilespmem:s30+$0x6C50]  }
0x159: {  	[tilespmem:s30+$0x6870] =	vst v16;
	v9 =	vadd.bf16 v9, v13;
	v62 =	vld [tilespmem:s30+$0x6C60]  }
0x15a: {  	v63 =	vld [tilespmem:s30+$0x6C70];
	[tilespmem:s30+$0x6C00] =	vst v15;
	v8 =	vadd.bf16 v8, v12  }
0x15b: {  	[tilespmem:s30+$0x6C10] =	vst v9;
	v7 =	vadd.bf16 v7, v10  }
0x15c: {  	[tilespmem:s30+$0x6C20] =	vst v8;
	v6 =	vadd.bf16 v6, v11  }
0x15d: {  	[tilespmem:s30+$0x6C30] =	vst v7;
	v5 =	vadd.bf16 v5, v14  }
0x15e: {  	[tilespmem:s30+$0x6C40] =	vst v6;
	v4 =	vadd.bf16 v4, v62  }
0x15f: {  	s0 =	sadd.s32 s4, s29;
	v3 =	vadd.bf16 v3, v63;
	[tilespmem:s30+$0x6C50] =	vst v5  }
.Ltmp9:
0x160: {  	s1 =	sshll.u32 s0, $0x5;
	[tilespmem:s30+$0x6C60] =	vst v4;
	(pc) =	sbr.rel .LBB2_11-.Ltmp9, $4  }
0x161: {  	s0 =	sshrl.u32 s0, $0x3;
	s1 =	sadd.s32 s2, s1;
	[tilespmem:s30+$0x6C70] =	vst v3  }
0x162: {  	[hbm4b:s1+s3] =	stream.linear.scatter [tilespmem:s28], [sflag:$0x4], $0x2000, $0x38;
	[tilespmem:$0xF800] =	vst v63  }
0x163: {  	s0 =	sadd.s32 s9, s0  }
0x164: {  	[hbm4b:s0+s3] =	stream.linear.scatter [tilespmem:s14], [sflag:$0x4], $0x20, $0x38;
	[tilespmem:$0xF800] =	vst v63  }
.LBB2_13:
0x165: {  	_ =	sfence.sel $0x180000  }
0x166: {  	[bflag:$0x0] =	sbarrier.arrive $0xFFFF  }
0x167: {  	_ =	strace $0x90000047  }
0x168: {  	s0 =	stileid.u32;
	[bflag:$0x2] =	sbarrier.arrive $0xFFFF  }
0x169: {  	p0 =	sne.s32 s0, $0x0;
	s0 =	rddreg [dreg:$0x2]  }
0x16a: {  	s0 =	sadd.s32 @!p0 $0x100000, s0  }
0x16b: {  	[sflag:s0] =	ssyncadd.tile.s32 @!p0 $0x1;
	_ =	shalt  }
.Lfunc_end2:
_tile_overlayer_lowered:
.L_overlay_start_2:
0x16c: {  	(tag) =	ssettag $0x2  }
0x16d: {  	s0 =	rddreg [dreg:$0x0];
	s2 =	stileid.u32  }
0x16e: {  	s1 =	rddreg [dreg:$0x1];
	p0 =	sne.s32 s2, $0x0  }
0x16f: {  	s3 =	rddreg [dreg:$0x2];
	[bflag:$0x3] =	sbarrier.arrive $0xFFFF;
	s2 =	simm.s32 @!p0 $0x1C05  }
0x170: {  	[timem:s3], [sflag:s2] =	dma.local @!p0 [hbm:s0], s1  }
0x171: {  	s0 =	simm.s32 @!p0 $0x5  }
0x172: {  	_ =	swait.ge @!p0 [sflag:s0], s1  }
0x173: {  	s1 =	ssub.s32 @!p0 $0x0, s1;
	[sflag:s0] =	ssyncset.done @!p0 $0x0  }
0x174: {  	[sflag:s0] =	ssyncadd.s32 @!p0 s1  }
0x175: {  	[bflag:$0x3] =	sbarrier.arrive $0xFFFF  }
0x176: {  	_ =	shalt  }

</sc_bundles>
